<compile_context>
chip_gen: v7x
topology: tpu7x:2x2x1
jax: 0.10.2.dev20260603
libtpu: 0.0.44.dev20260713+nightly
codegen_flags: <defaults>
</compile_context>

<pallas_src>
import functools

import jax
import jax.numpy as jnp
from jax import lax
from jax.experimental import pallas as pl
from jax.experimental.pallas import tpu as pltpu
from jax.experimental.pallas import tpu_sc as plsc

_VOCAB = 100000
_EMBED = 64
_CONTEXT = 200
_HIDDEN = 128
_FLAT = _CONTEXT * _EMBED

_TILE = 25600
_NSTREAM = 1
_QUANT = _TILE * _NSTREAM
_NV = (_VOCAB + _QUANT - 1) // _QUANT
_NCHUNK = _NV * _NSTREAM
_PADDED = _NCHUNK * _TILE

_NC = 2
_ROWS_PER_W = 8
_NW_ACTIVE = _CONTEXT // _ROWS_PER_W


def _sc_gather(embt_hbm, idx_hbm, out_hbm, idx_v, land, flat_v, sem):
    wid = lax.axis_index("s") * _NC + lax.axis_index("c")

    @pl.when(wid < _NW_ACTIVE)
    def _():
        base = wid * _ROWS_PER_W
        pltpu.sync_copy(idx_hbm.at[pl.ds(base, _ROWS_PER_W)],
                        idx_v.at[pl.ds(0, _ROWS_PER_W)])
        vec = idx_v[...]
        lane = lax.iota(jnp.int32, 16)
        cols = []
        copies = []
        for k in range(_ROWS_PER_W):
            col = jnp.sum(jnp.where(lane == k, vec, 0), axis=0)
            col0 = pl.multiple_of((col // 128) * 128, 128)
            cols.append(col - col0)
            copies.append(pltpu.async_copy(
                embt_hbm.at[:, pl.ds(col0, 128)], land.at[k], sem))
        for c in copies:
            c.wait()
        for k in range(_ROWS_PER_W):
            lane_in_tile = jnp.full((16,), cols[k], dtype=jnp.int32)
            for c in range(_EMBED // 16):
                rows16 = lane + c * 16
                flat_v[pl.ds(k * _EMBED + c * 16, 16)] = plsc.load_gather(
                    land.at[k], [rows16, lane_in_tile])
        pltpu.sync_copy(flat_v, out_hbm.at[pl.ds(base * _EMBED,
                                                 _ROWS_PER_W * _EMBED)])


@functools.cache
def _sc_gather_call():
    return pl.kernel(
        _sc_gather,
        out_type=jax.ShapeDtypeStruct((_FLAT,), jnp.float32),
        mesh=plsc.VectorSubcoreMesh(core_axis_name="c", subcore_axis_name="s"),
        scratch_types=[
            pltpu.VMEM((16,), jnp.int32),
            pltpu.VMEM((_ROWS_PER_W, _EMBED, 128), jnp.float32),
            pltpu.VMEM((_ROWS_PER_W * _EMBED,), jnp.float32),
            pltpu.SemaphoreType.DMA,
        ],
        compiler_params=pltpu.CompilerParams(
            needs_layout_passes=False,
        ),
    )


def _tc_mlp(embeds_ref, w1_ref, b1_ref, *rest):
    w2_refs = rest[:_NSTREAM]
    b2_refs = rest[_NSTREAM:2 * _NSTREAM]
    out_ref = rest[2 * _NSTREAM]
    h_ref, logits_ref, m_ref = rest[2 * _NSTREAM + 1:]
    j = pl.program_id(0)

    @pl.when(j == 0)
    def _():
        e = embeds_ref[...].reshape(1, _FLAT)
        h = lax.dot_general(e, w1_ref[...],
                            (((1,), (1,)), ((), ())),
                            preferred_element_type=jnp.float32) + b1_ref[...]
        h_ref[...] = jnp.maximum(h, 0.0)
        m_ref[0] = -jnp.inf

    ts = []
    for q in range(_NSTREAM):
        ts.append(lax.dot_general(h_ref[...], w2_refs[q][...],
                                  (((1,), (1,)), ((), ())),
                                  preferred_element_type=jnp.float32)
                  + b2_refs[q][...].reshape(1, _TILE))
    if_last = j == _NV - 1

    @pl.when(jnp.logical_not(if_last))
    def _():
        m = m_ref[0]
        for q in range(_NSTREAM):
            logits_ref[:, pl.ds((j * _NSTREAM + q) * _TILE, _TILE)] = ts[q]
            m = jnp.maximum(m, jnp.max(ts[q]))
        m_ref[0] = m

    @pl.when(if_last)
    def _():
        m = m_ref[0]
        for q in range(_NSTREAM):
            col = ((j * _NSTREAM + q) * _TILE
                   + lax.broadcasted_iota(jnp.int32, (1, _TILE), 1))
            tm = jnp.where(col < _VOCAB, ts[q], -jnp.inf)
            logits_ref[:, pl.ds((j * _NSTREAM + q) * _TILE, _TILE)] = tm
            m = jnp.maximum(m, jnp.max(tm))

        def body(i, s):
            chunk = logits_ref[:, pl.ds(i * _TILE, _TILE)]
            return s + jnp.sum(jnp.exp(chunk - m))

        s = lax.fori_loop(0, _NCHUNK, body, 0.0)
        lse = m + jnp.log(s)

        def body2(i, carry):
            out_ref[:, pl.ds(i * _TILE, _TILE)] = (
                logits_ref[:, pl.ds(i * _TILE, _TILE)] - lse)
            return carry

        nfull = _VOCAB // _TILE
        lax.fori_loop(0, nfull, body2, 0)
        tail = _VOCAB - nfull * _TILE
        out_ref[:, pl.ds(nfull * _TILE, tail)] = (
            logits_ref[:, pl.ds(nfull * _TILE, tail)] - lse)


@functools.cache
def _tc_mlp_call(interpret=False):
    last_valid = (_VOCAB - 1) // _TILE

    w2_specs = [
        pl.BlockSpec((_TILE, _HIDDEN), functools.partial(
            lambda q, j: (jnp.minimum(j * _NSTREAM + q, last_valid), 0), q))
        for q in range(_NSTREAM)
    ]
    b2_specs = [
        pl.BlockSpec((_TILE,), functools.partial(
            lambda q, j: (jnp.minimum(j * _NSTREAM + q, last_valid),), q))
        for q in range(_NSTREAM)
    ]
    return pl.pallas_call(
        _tc_mlp,
        grid=(_NV,),
        in_specs=[
            pl.BlockSpec((_FLAT,), lambda j: (0,)),
            pl.BlockSpec((_HIDDEN, _FLAT), lambda j: (0, 0)),
            pl.BlockSpec((1, _HIDDEN), lambda j: (0, 0)),
            *w2_specs,
            *b2_specs,
        ],
        out_specs=pl.BlockSpec((1, _VOCAB), lambda j: (0, 0)),
        out_shape=jax.ShapeDtypeStruct((1, _VOCAB), jnp.float32),
        scratch_shapes=[
            pltpu.VMEM((1, _HIDDEN), jnp.float32),
            pltpu.VMEM((1, _PADDED), jnp.float32),
            pltpu.SMEM((1,), jnp.float32),
        ],
        compiler_params=pltpu.CompilerParams(
            dimension_semantics=("arbitrary",),
        ),
        interpret=interpret,
    )


@jax.jit
def kernel(inputs, emb, W1, b1, W2, b2):
    embeds = _sc_gather_call()(emb.T, inputs)
    return _tc_mlp_call()(embeds, W1, b1.reshape(1, _HIDDEN),
                          *([W2] * _NSTREAM), *([b2] * _NSTREAM))

# --- scband reference (transcript-rebuilt; emitter-appended) ---
"""Pipeline reference for scband-ngram-13151189861127 (READ-ONLY COPY).

The authoritative reference and input builder live on the scoring server;
editing this copy changes nothing except your own understanding.
"""

import jax, jax.numpy as jnp
import numpy as np

VOCAB = 100000
EMBED_DIM = 64
CONTEXT = 200
HIDDEN = 128


def setup_inputs(seed: int = 0) -> dict:
    key = jax.random.key(seed)
    k_idx, k_emb, k_w1, k_b1, k_w2, k_b2 = jax.random.split(key, 6)
    inputs = jax.random.randint(k_idx, (CONTEXT,), 0, VOCAB, dtype=jnp.int64 if jax.config.jax_enable_x64 else jnp.int32).astype(jnp.int32)
    emb = jax.random.uniform(k_emb, (VOCAB, EMBED_DIM), dtype=jnp.float32, minval=-0.1, maxval=0.1)
    fan_in1 = CONTEXT * EMBED_DIM
    bound1 = 1.0 / np.sqrt(fan_in1)
    W1 = jax.random.uniform(k_w1, (HIDDEN, fan_in1), dtype=jnp.float32, minval=-bound1, maxval=bound1)
    b1 = jax.random.uniform(k_b1, (HIDDEN,), dtype=jnp.float32, minval=-bound1, maxval=bound1)
    bound2 = 1.0 / np.sqrt(HIDDEN)
    W2 = jax.random.uniform(k_w2, (VOCAB, HIDDEN), dtype=jnp.float32, minval=-bound2, maxval=bound2)
    b2 = jax.random.uniform(k_b2, (VOCAB,), dtype=jnp.float32, minval=-bound2, maxval=bound2)
    return {"inputs": inputs, "emb": emb, "W1": W1, "b1": b1, "W2": W2, "b2": b2}


def reference(inputs, emb, W1, b1, W2, b2):
    # embedding lookup (SparseCore gather) then flatten to a single row
    embeds = jnp.take(emb, inputs, axis=0).reshape(1, -1)
    out = jax.nn.relu(embeds @ W1.T + b1)
    out = out @ W2.T + b2
    log_probs = jax.nn.log_softmax(out, axis=-1)
    return log_probs

if __name__ == "__main__":
    import jax
    _d = setup_inputs()
    print(jax.jit(kernel)(*tuple(_d.values())))

</pallas_src>

<mosaic_0001>
#map = affine_map<(d0, d1) -> (0, 0)>
#map1 = affine_map<(d0, d1) -> (0)>
module attributes {stable_mosaic.version = 14 : i64} {
  func.func @_sc_gather(%arg0: i32, %arg1: i32, %arg2: memref<64x100000xf32, #tpu.memory_space<hbm>>, %arg3: memref<200xi32, #tpu.memory_space<hbm>>, %arg4: memref<12800xf32, #tpu.memory_space<hbm>>, %arg5: memref<16xi32, #tpu.memory_space<vmem>>, %arg6: memref<8x64x128xf32, #tpu.memory_space<vmem>>, %arg7: memref<512xf32, #tpu.memory_space<vmem>>, %arg8: memref<!tpu.dma_semaphore, #tpu.memory_space<semaphore_mem>>) attributes {dimension_semantics = [#tpu.dimension_semantics<core_parallel>, #tpu.dimension_semantics<subcore_parallel>], iteration_bounds = array<i64: 2, 16>, scalar_prefetch = 0 : i64, scratch_operands = 4 : i64, tpu.core_type = #tpu.core_type<sc_vector_subcore>, window_params = [{transform_indices = #map}, {transform_indices = #map1}, {transform_indices = #map1}]} {
    %mul3A = arith.constant 2 : i32
    %mul3A_0 = arith.muli %arg1, %mul3A : i32
    %add3A = arith.addi %mul3A_0, %arg0 : i32
    %lt3A = arith.constant 25 : i32
    %lt3A_1 = arith.cmpi slt, %add3A, %lt3A : i32
    %convert_element_type3A = arith.extui %lt3A_1 : i1 to i32
    %cond3A = arith.constant 0 : i32
    %cond3A_2 = arith.cmpi ne, %convert_element_type3A, %cond3A : i32
    scf.if %cond3A_2 {
      %mul3A_3 = arith.constant 8 : i32
      %mul3A_4 = arith.muli %add3A, %mul3A_3 : i32
      "tpu.region"() ({
        %run_scoped3A = tpu.sem_alloc : memref<!tpu.dma_semaphore, #tpu.memory_space<semaphore_mem>>
        %dma_start3A_864 = arith.constant 0 : i32
        %dma_start3A_865 = tpu.memref_slice %arg5[%dma_start3A_864] : memref<16xi32, #tpu.memory_space<vmem>> -> memref<8xi32, #tpu.memory_space<vmem>>
        %dma_start3A_866 = tpu.memref_slice %arg3[%mul3A_4] : memref<200xi32, #tpu.memory_space<hbm>> -> memref<8xi32, #tpu.memory_space<hbm>>
        %dma_start3A_867 = arith.constant 0 : i32
        %dma_start3A_868 = tpu.memref_slice %arg5[%dma_start3A_867] : memref<16xi32, #tpu.memory_space<vmem>> -> memref<8xi32, #tpu.memory_space<vmem>>
        %dma_start3A_869 = tpu.memref_slice %arg3[%mul3A_4] : memref<200xi32, #tpu.memory_space<hbm>> -> memref<8xi32, #tpu.memory_space<hbm>>
        tpu.enqueue_dma source(%dma_start3A_869 : memref<8xi32, #tpu.memory_space<hbm>>) target(%dma_start3A_868 : memref<8xi32, #tpu.memory_space<vmem>>) target_semaphore(%run_scoped3A : memref<!tpu.dma_semaphore, #tpu.memory_space<semaphore_mem>>)
        %dma_wait3A_870 = arith.constant 0 : i32
        %dma_wait3A_871 = tpu.memref_slice %arg5[%dma_wait3A_870] : memref<16xi32, #tpu.memory_space<vmem>> -> memref<8xi32, #tpu.memory_space<vmem>>
        %dma_wait3A_872 = tpu.memref_slice %arg3[%mul3A_4] : memref<200xi32, #tpu.memory_space<hbm>> -> memref<8xi32, #tpu.memory_space<hbm>>
        %dma_wait3A_873 = arith.constant 0 : i32
        %dma_wait3A_874 = tpu.memref_slice %arg5[%dma_wait3A_873] : memref<16xi32, #tpu.memory_space<vmem>> -> memref<8xi32, #tpu.memory_space<vmem>>
        %dma_wait3A_875 = tpu.memref_slice %arg3[%mul3A_4] : memref<200xi32, #tpu.memory_space<hbm>> -> memref<8xi32, #tpu.memory_space<hbm>>
        tpu.wait_dma2 semaphore(%run_scoped3A : memref<!tpu.dma_semaphore, #tpu.memory_space<semaphore_mem>>) src(%dma_wait3A_875 : memref<8xi32, #tpu.memory_space<hbm>>) dst(%dma_wait3A_874 : memref<8xi32, #tpu.memory_space<vmem>>)
        tpu.yield
      }) : () -> ()
      %get3A = arith.constant 0 : index
      %get3A_5 = tpu.vector_load %arg5[%get3A] {strides = array<i32>} : memref<16xi32, #tpu.memory_space<vmem>>, vector<16xi32>,
      %iota3A = tpu.iota {dimensions = array<i32: 0>} : vector<16xi32>
      %eq3A = arith.constant 0 : i32
      %eq3A_6 = vector.broadcast %eq3A : i32 to vector<16xi32>
      %eq3A_7 = arith.cmpi eq, %iota3A, %eq3A_6 : vector<16xi32>
      %jit3A = arith.constant 0 : i32
      %broadcast_in_dim3A = vector.broadcast %jit3A : i32 to vector<16xi32>
      %select_n3A = arith.select %eq3A_7, %get3A_5, %broadcast_in_dim3A : vector<16xi1>, vector<16xi32>
      %reduce_sum3A = arith.constant true
      %reduce_sum3A_8 = vector.broadcast %reduce_sum3A : i1 to vector<16xi1>
      %reduce_sum3A_9 = tpu.scan <sum>, %select_n3A masked %reduce_sum3A_8 : vector<16xi32>, vector<16xi1> -> vector<16xi32>
      %reduce_sum3A_10 = vector.extract %reduce_sum3A_9[15] : i32 from vector<16xi32>
      %jit3A_11 = arith.constant 128 : i32
      %div3A = arith.divsi %reduce_sum3A_10, %jit3A_11 : i32
      %sign3A = arith.constant 0 : i32
      %sign3A_12 = arith.cmpi sgt, %reduce_sum3A_10, %sign3A : i32
      %sign3A_13 = arith.extui %sign3A_12 : i1 to i32
      %sign3A_14 = arith.constant 0 : i32
      %sign3A_15 = arith.cmpi slt, %reduce_sum3A_10, %sign3A_14 : i32
      %sign3A_16 = arith.extui %sign3A_15 : i1 to i32
      %sign3A_17 = arith.subi %sign3A_13, %sign3A_16 : i32
      %sign3A_18 = arith.constant 0 : i32
      %sign3A_19 = arith.cmpi sgt, %jit3A_11, %sign3A_18 : i32
      %sign3A_20 = arith.extui %sign3A_19 : i1 to i32
      %sign3A_21 = arith.constant 0 : i32
      %sign3A_22 = arith.cmpi slt, %jit3A_11, %sign3A_21 : i32
      %sign3A_23 = arith.extui %sign3A_22 : i1 to i32
      %sign3A_24 = arith.subi %sign3A_20, %sign3A_23 : i32
      %ne3A = arith.cmpi ne, %sign3A_17, %sign3A_24 : i32
      %rem3A = arith.remsi %reduce_sum3A_10, %jit3A_11 : i32
      %ne3A_25 = arith.constant 0 : i32
      %ne3A_26 = arith.cmpi ne, %rem3A, %ne3A_25 : i32
      %and3A = arith.andi %ne3A, %ne3A_26 : i1
      %sub3A = arith.constant 1 : i32
      %sub3A_27 = arith.subi %div3A, %sub3A : i32
      %select_n3A_28 = arith.select %and3A, %sub3A_27, %div3A : i32
      %mul3A_29 = arith.constant 128 : i32
      %mul3A_30 = arith.muli %select_n3A_28, %mul3A_29 : i32
      %multiple_of3A = tpu.assume_multiple %mul3A_30, 128 : i32
      %sub3A_31 = arith.subi %reduce_sum3A_10, %multiple_of3A : i32
      %dma_start3A = arith.constant 0 : i32
      %dma_start3A_32 = arith.constant 0 : i32
      %dma_start3A_33 = arith.constant 0 : i32
      %dma_start3A_34 = tpu.memref_slice %arg6[%dma_start3A, %dma_start3A_32, %dma_start3A_33] : memref<8x64x128xf32, #tpu.memory_space<vmem>> -> memref<1x64x128xf32, #tpu.memory_space<vmem>>
      %dma_start3A_35 = tpu.memref_squeeze %dma_start3A_34 : memref<1x64x128xf32, #tpu.memory_space<vmem>> -> memref<64x128xf32, #tpu.memory_space<vmem>>
      %dma_start3A_36 = arith.constant 0 : i32
      %dma_start3A_37 = tpu.memref_slice %arg2[%dma_start3A_36, %multiple_of3A] : memref<64x100000xf32, #tpu.memory_space<hbm>> -> memref<64x128xf32, #tpu.memory_space<hbm>>
      %dma_start3A_38 = arith.constant 0 : i32
      %dma_start3A_39 = arith.constant 0 : i32
      %dma_start3A_40 = tpu.memref_slice %arg6[%dma_start3A, %dma_start3A_38, %dma_start3A_39] : memref<8x64x128xf32, #tpu.memory_space<vmem>> -> memref<1x64x128xf32, #tpu.memory_space<vmem>>
      %dma_start3A_41 = tpu.memref_squeeze %dma_start3A_40 : memref<1x64x128xf32, #tpu.memory_space<vmem>> -> memref<64x128xf32, #tpu.memory_space<vmem>>
      %dma_start3A_42 = arith.constant 0 : i32
      %dma_start3A_43 = tpu.memref_slice %arg2[%dma_start3A_42, %multiple_of3A] : memref<64x100000xf32, #tpu.memory_space<hbm>> -> memref<64x128xf32, #tpu.memory_space<hbm>>
      tpu.enqueue_dma source(%dma_start3A_43 : memref<64x128xf32, #tpu.memory_space<hbm>>) target(%dma_start3A_41 : memref<64x128xf32, #tpu.memory_space<vmem>>) target_semaphore(%arg8 : memref<!tpu.dma_semaphore, #tpu.memory_space<semaphore_mem>>)
      %eq3A_44 = arith.constant 1 : i32
      %eq3A_45 = vector.broadcast %eq3A_44 : i32 to vector<16xi32>
      %eq3A_46 = arith.cmpi eq, %iota3A, %eq3A_45 : vector<16xi32>
      %jit3A_47 = arith.constant 0 : i32
      %broadcast_in_dim3A_48 = vector.broadcast %jit3A_47 : i32 to vector<16xi32>
      %select_n3A_49 = arith.select %eq3A_46, %get3A_5, %broadcast_in_dim3A_48 : vector<16xi1>, vector<16xi32>
      %reduce_sum3A_50 = arith.constant true
      %reduce_sum3A_51 = vector.broadcast %reduce_sum3A_50 : i1 to vector<16xi1>
      %reduce_sum3A_52 = tpu.scan <sum>, %select_n3A_49 masked %reduce_sum3A_51 : vector<16xi32>, vector<16xi1> -> vector<16xi32>
      %reduce_sum3A_53 = vector.extract %reduce_sum3A_52[15] : i32 from vector<16xi32>
      %jit3A_54 = arith.constant 128 : i32
      %div3A_55 = arith.divsi %reduce_sum3A_53, %jit3A_54 : i32
      %sign3A_56 = arith.constant 0 : i32
      %sign3A_57 = arith.cmpi sgt, %reduce_sum3A_53, %sign3A_56 : i32
      %sign3A_58 = arith.extui %sign3A_57 : i1 to i32
      %sign3A_59 = arith.constant 0 : i32
      %sign3A_60 = arith.cmpi slt, %reduce_sum3A_53, %sign3A_59 : i32
      %sign3A_61 = arith.extui %sign3A_60 : i1 to i32
      %sign3A_62 = arith.subi %sign3A_58, %sign3A_61 : i32
      %sign3A_63 = arith.constant 0 : i32
      %sign3A_64 = arith.cmpi sgt, %jit3A_54, %sign3A_63 : i32
      %sign3A_65 = arith.extui %sign3A_64 : i1 to i32
      %sign3A_66 = arith.constant 0 : i32
      %sign3A_67 = arith.cmpi slt, %jit3A_54, %sign3A_66 : i32
      %sign3A_68 = arith.extui %sign3A_67 : i1 to i32
      %sign3A_69 = arith.subi %sign3A_65, %sign3A_68 : i32
      %ne3A_70 = arith.cmpi ne, %sign3A_62, %sign3A_69 : i32
      %rem3A_71 = arith.remsi %reduce_sum3A_53, %jit3A_54 : i32
      %ne3A_72 = arith.constant 0 : i32
      %ne3A_73 = arith.cmpi ne, %rem3A_71, %ne3A_72 : i32
      %and3A_74 = arith.andi %ne3A_70, %ne3A_73 : i1
      %sub3A_75 = arith.constant 1 : i32
      %sub3A_76 = arith.subi %div3A_55, %sub3A_75 : i32
      %select_n3A_77 = arith.select %and3A_74, %sub3A_76, %div3A_55 : i32
      %mul3A_78 = arith.constant 128 : i32
      %mul3A_79 = arith.muli %select_n3A_77, %mul3A_78 : i32
      %multiple_of3A_80 = tpu.assume_multiple %mul3A_79, 128 : i32
      %sub3A_81 = arith.subi %reduce_sum3A_53, %multiple_of3A_80 : i32
      %dma_start3A_82 = arith.constant 1 : i32
      %dma_start3A_83 = arith.constant 0 : i32
      %dma_start3A_84 = arith.constant 0 : i32
      %dma_start3A_85 = tpu.memref_slice %arg6[%dma_start3A_82, %dma_start3A_83, %dma_start3A_84] : memref<8x64x128xf32, #tpu.memory_space<vmem>> -> memref<1x64x128xf32, #tpu.memory_space<vmem>>
      %dma_start3A_86 = tpu.memref_squeeze %dma_start3A_85 : memref<1x64x128xf32, #tpu.memory_space<vmem>> -> memref<64x128xf32, #tpu.memory_space<vmem>>
      %dma_start3A_87 = arith.constant 0 : i32
      %dma_start3A_88 = tpu.memref_slice %arg2[%dma_start3A_87, %multiple_of3A_80] : memref<64x100000xf32, #tpu.memory_space<hbm>> -> memref<64x128xf32, #tpu.memory_space<hbm>>
      %dma_start3A_89 = arith.constant 0 : i32
      %dma_start3A_90 = arith.constant 0 : i32
      %dma_start3A_91 = tpu.memref_slice %arg6[%dma_start3A_82, %dma_start3A_89, %dma_start3A_90] : memref<8x64x128xf32, #tpu.memory_space<vmem>> -> memref<1x64x128xf32, #tpu.memory_space<vmem>>
      %dma_start3A_92 = tpu.memref_squeeze %dma_start3A_91 : memref<1x64x128xf32, #tpu.memory_space<vmem>> -> memref<64x128xf32, #tpu.memory_space<vmem>>
      %dma_start3A_93 = arith.constant 0 : i32
      %dma_start3A_94 = tpu.memref_slice %arg2[%dma_start3A_93, %multiple_of3A_80] : memref<64x100000xf32, #tpu.memory_space<hbm>> -> memref<64x128xf32, #tpu.memory_space<hbm>>
      tpu.enqueue_dma source(%dma_start3A_94 : memref<64x128xf32, #tpu.memory_space<hbm>>) target(%dma_start3A_92 : memref<64x128xf32, #tpu.memory_space<vmem>>) target_semaphore(%arg8 : memref<!tpu.dma_semaphore, #tpu.memory_space<semaphore_mem>>)
      %eq3A_95 = arith.constant 2 : i32
      %eq3A_96 = vector.broadcast %eq3A_95 : i32 to vector<16xi32>
      %eq3A_97 = arith.cmpi eq, %iota3A, %eq3A_96 : vector<16xi32>
      %jit3A_98 = arith.constant 0 : i32
      %broadcast_in_dim3A_99 = vector.broadcast %jit3A_98 : i32 to vector<16xi32>
      %select_n3A_100 = arith.select %eq3A_97, %get3A_5, %broadcast_in_dim3A_99 : vector<16xi1>, vector<16xi32>
      %reduce_sum3A_101 = arith.constant true
      %reduce_sum3A_102 = vector.broadcast %reduce_sum3A_101 : i1 to vector<16xi1>
      %reduce_sum3A_103 = tpu.scan <sum>, %select_n3A_100 masked %reduce_sum3A_102 : vector<16xi32>, vector<16xi1> -> vector<16xi32>
      %reduce_sum3A_104 = vector.extract %reduce_sum3A_103[15] : i32 from vector<16xi32>
      %jit3A_105 = arith.constant 128 : i32
      %div3A_106 = arith.divsi %reduce_sum3A_104, %jit3A_105 : i32
      %sign3A_107 = arith.constant 0 : i32
      %sign3A_108 = arith.cmpi sgt, %reduce_sum3A_104, %sign3A_107 : i32
      %sign3A_109 = arith.extui %sign3A_108 : i1 to i32
      %sign3A_110 = arith.constant 0 : i32
      %sign3A_111 = arith.cmpi slt, %reduce_sum3A_104, %sign3A_110 : i32
      %sign3A_112 = arith.extui %sign3A_111 : i1 to i32
      %sign3A_113 = arith.subi %sign3A_109, %sign3A_112 : i32
      %sign3A_114 = arith.constant 0 : i32
      %sign3A_115 = arith.cmpi sgt, %jit3A_105, %sign3A_114 : i32
      %sign3A_116 = arith.extui %sign3A_115 : i1 to i32
      %sign3A_117 = arith.constant 0 : i32
      %sign3A_118 = arith.cmpi slt, %jit3A_105, %sign3A_117 : i32
      %sign3A_119 = arith.extui %sign3A_118 : i1 to i32
      %sign3A_120 = arith.subi %sign3A_116, %sign3A_119 : i32
      %ne3A_121 = arith.cmpi ne, %sign3A_113, %sign3A_120 : i32
      %rem3A_122 = arith.remsi %reduce_sum3A_104, %jit3A_105 : i32
      %ne3A_123 = arith.constant 0 : i32
      %ne3A_124 = arith.cmpi ne, %rem3A_122, %ne3A_123 : i32
      %and3A_125 = arith.andi %ne3A_121, %ne3A_124 : i1
      %sub3A_126 = arith.constant 1 : i32
      %sub3A_127 = arith.subi %div3A_106, %sub3A_126 : i32
      %select_n3A_128 = arith.select %and3A_125, %sub3A_127, %div3A_106 : i32
      %mul3A_129 = arith.constant 128 : i32
      %mul3A_130 = arith.muli %select_n3A_128, %mul3A_129 : i32
      %multiple_of3A_131 = tpu.assume_multiple %mul3A_130, 128 : i32
      %sub3A_132 = arith.subi %reduce_sum3A_104, %multiple_of3A_131 : i32
      %dma_start3A_133 = arith.constant 2 : i32
      %dma_start3A_134 = arith.constant 0 : i32
      %dma_start3A_135 = arith.constant 0 : i32
      %dma_start3A_136 = tpu.memref_slice %arg6[%dma_start3A_133, %dma_start3A_134, %dma_start3A_135] : memref<8x64x128xf32, #tpu.memory_space<vmem>> -> memref<1x64x128xf32, #tpu.memory_space<vmem>>
      %dma_start3A_137 = tpu.memref_squeeze %dma_start3A_136 : memref<1x64x128xf32, #tpu.memory_space<vmem>> -> memref<64x128xf32, #tpu.memory_space<vmem>>
      %dma_start3A_138 = arith.constant 0 : i32
      %dma_start3A_139 = tpu.memref_slice %arg2[%dma_start3A_138, %multiple_of3A_131] : memref<64x100000xf32, #tpu.memory_space<hbm>> -> memref<64x128xf32, #tpu.memory_space<hbm>>
      %dma_start3A_140 = arith.constant 0 : i32
      %dma_start3A_141 = arith.constant 0 : i32
      %dma_start3A_142 = tpu.memref_slice %arg6[%dma_start3A_133, %dma_start3A_140, %dma_start3A_141] : memref<8x64x128xf32, #tpu.memory_space<vmem>> -> memref<1x64x128xf32, #tpu.memory_space<vmem>>
      %dma_start3A_143 = tpu.memref_squeeze %dma_start3A_142 : memref<1x64x128xf32, #tpu.memory_space<vmem>> -> memref<64x128xf32, #tpu.memory_space<vmem>>
      %dma_start3A_144 = arith.constant 0 : i32
      %dma_start3A_145 = tpu.memref_slice %arg2[%dma_start3A_144, %multiple_of3A_131] : memref<64x100000xf32, #tpu.memory_space<hbm>> -> memref<64x128xf32, #tpu.memory_space<hbm>>
      tpu.enqueue_dma source(%dma_start3A_145 : memref<64x128xf32, #tpu.memory_space<hbm>>) target(%dma_start3A_143 : memref<64x128xf32, #tpu.memory_space<vmem>>) target_semaphore(%arg8 : memref<!tpu.dma_semaphore, #tpu.memory_space<semaphore_mem>>)
      %eq3A_146 = arith.constant 3 : i32
      %eq3A_147 = vector.broadcast %eq3A_146 : i32 to vector<16xi32>
      %eq3A_148 = arith.cmpi eq, %iota3A, %eq3A_147 : vector<16xi32>
      %jit3A_149 = arith.constant 0 : i32
      %broadcast_in_dim3A_150 = vector.broadcast %jit3A_149 : i32 to vector<16xi32>
      %select_n3A_151 = arith.select %eq3A_148, %get3A_5, %broadcast_in_dim3A_150 : vector<16xi1>, vector<16xi32>
      %reduce_sum3A_152 = arith.constant true
      %reduce_sum3A_153 = vector.broadcast %reduce_sum3A_152 : i1 to vector<16xi1>
      %reduce_sum3A_154 = tpu.scan <sum>, %select_n3A_151 masked %reduce_sum3A_153 : vector<16xi32>, vector<16xi1> -> vector<16xi32>
      %reduce_sum3A_155 = vector.extract %reduce_sum3A_154[15] : i32 from vector<16xi32>
      %jit3A_156 = arith.constant 128 : i32
      %div3A_157 = arith.divsi %reduce_sum3A_155, %jit3A_156 : i32
      %sign3A_158 = arith.constant 0 : i32
      %sign3A_159 = arith.cmpi sgt, %reduce_sum3A_155, %sign3A_158 : i32
      %sign3A_160 = arith.extui %sign3A_159 : i1 to i32
      %sign3A_161 = arith.constant 0 : i32
      %sign3A_162 = arith.cmpi slt, %reduce_sum3A_155, %sign3A_161 : i32
      %sign3A_163 = arith.extui %sign3A_162 : i1 to i32
      %sign3A_164 = arith.subi %sign3A_160, %sign3A_163 : i32
      %sign3A_165 = arith.constant 0 : i32
      %sign3A_166 = arith.cmpi sgt, %jit3A_156, %sign3A_165 : i32
      %sign3A_167 = arith.extui %sign3A_166 : i1 to i32
      %sign3A_168 = arith.constant 0 : i32
      %sign3A_169 = arith.cmpi slt, %jit3A_156, %sign3A_168 : i32
      %sign3A_170 = arith.extui %sign3A_169 : i1 to i32
      %sign3A_171 = arith.subi %sign3A_167, %sign3A_170 : i32
      %ne3A_172 = arith.cmpi ne, %sign3A_164, %sign3A_171 : i32
      %rem3A_173 = arith.remsi %reduce_sum3A_155, %jit3A_156 : i32
      %ne3A_174 = arith.constant 0 : i32
      %ne3A_175 = arith.cmpi ne, %rem3A_173, %ne3A_174 : i32
      %and3A_176 = arith.andi %ne3A_172, %ne3A_175 : i1
      %sub3A_177 = arith.constant 1 : i32
      %sub3A_178 = arith.subi %div3A_157, %sub3A_177 : i32
      %select_n3A_179 = arith.select %and3A_176, %sub3A_178, %div3A_157 : i32
      %mul3A_180 = arith.constant 128 : i32
      %mul3A_181 = arith.muli %select_n3A_179, %mul3A_180 : i32
      %multiple_of3A_182 = tpu.assume_multiple %mul3A_181, 128 : i32
      %sub3A_183 = arith.subi %reduce_sum3A_155, %multiple_of3A_182 : i32
      %dma_start3A_184 = arith.constant 3 : i32
      %dma_start3A_185 = arith.constant 0 : i32
      %dma_start3A_186 = arith.constant 0 : i32
      %dma_start3A_187 = tpu.memref_slice %arg6[%dma_start3A_184, %dma_start3A_185, %dma_start3A_186] : memref<8x64x128xf32, #tpu.memory_space<vmem>> -> memref<1x64x128xf32, #tpu.memory_space<vmem>>
      %dma_start3A_188 = tpu.memref_squeeze %dma_start3A_187 : memref<1x64x128xf32, #tpu.memory_space<vmem>> -> memref<64x128xf32, #tpu.memory_space<vmem>>
      %dma_start3A_189 = arith.constant 0 : i32
      %dma_start3A_190 = tpu.memref_slice %arg2[%dma_start3A_189, %multiple_of3A_182] : memref<64x100000xf32, #tpu.memory_space<hbm>> -> memref<64x128xf32, #tpu.memory_space<hbm>>
      %dma_start3A_191 = arith.constant 0 : i32
      %dma_start3A_192 = arith.constant 0 : i32
      %dma_start3A_193 = tpu.memref_slice %arg6[%dma_start3A_184, %dma_start3A_191, %dma_start3A_192] : memref<8x64x128xf32, #tpu.memory_space<vmem>> -> memref<1x64x128xf32, #tpu.memory_space<vmem>>
      %dma_start3A_194 = tpu.memref_squeeze %dma_start3A_193 : memref<1x64x128xf32, #tpu.memory_space<vmem>> -> memref<64x128xf32, #tpu.memory_space<vmem>>
      %dma_start3A_195 = arith.constant 0 : i32
      %dma_start3A_196 = tpu.memref_slice %arg2[%dma_start3A_195, %multiple_of3A_182] : memref<64x100000xf32, #tpu.memory_space<hbm>> -> memref<64x128xf32, #tpu.memory_space<hbm>>
      tpu.enqueue_dma source(%dma_start3A_196 : memref<64x128xf32, #tpu.memory_space<hbm>>) target(%dma_start3A_194 : memref<64x128xf32, #tpu.memory_space<vmem>>) target_semaphore(%arg8 : memref<!tpu.dma_semaphore, #tpu.memory_space<semaphore_mem>>)
      %eq3A_197 = arith.constant 4 : i32
      %eq3A_198 = vector.broadcast %eq3A_197 : i32 to vector<16xi32>
      %eq3A_199 = arith.cmpi eq, %iota3A, %eq3A_198 : vector<16xi32>
      %jit3A_200 = arith.constant 0 : i32
      %broadcast_in_dim3A_201 = vector.broadcast %jit3A_200 : i32 to vector<16xi32>
      %select_n3A_202 = arith.select %eq3A_199, %get3A_5, %broadcast_in_dim3A_201 : vector<16xi1>, vector<16xi32>
      %reduce_sum3A_203 = arith.constant true
      %reduce_sum3A_204 = vector.broadcast %reduce_sum3A_203 : i1 to vector<16xi1>
      %reduce_sum3A_205 = tpu.scan <sum>, %select_n3A_202 masked %reduce_sum3A_204 : vector<16xi32>, vector<16xi1> -> vector<16xi32>
      %reduce_sum3A_206 = vector.extract %reduce_sum3A_205[15] : i32 from vector<16xi32>
      %jit3A_207 = arith.constant 128 : i32
      %div3A_208 = arith.divsi %reduce_sum3A_206, %jit3A_207 : i32
      %sign3A_209 = arith.constant 0 : i32
      %sign3A_210 = arith.cmpi sgt, %reduce_sum3A_206, %sign3A_209 : i32
      %sign3A_211 = arith.extui %sign3A_210 : i1 to i32
      %sign3A_212 = arith.constant 0 : i32
      %sign3A_213 = arith.cmpi slt, %reduce_sum3A_206, %sign3A_212 : i32
      %sign3A_214 = arith.extui %sign3A_213 : i1 to i32
      %sign3A_215 = arith.subi %sign3A_211, %sign3A_214 : i32
      %sign3A_216 = arith.constant 0 : i32
      %sign3A_217 = arith.cmpi sgt, %jit3A_207, %sign3A_216 : i32
      %sign3A_218 = arith.extui %sign3A_217 : i1 to i32
      %sign3A_219 = arith.constant 0 : i32
      %sign3A_220 = arith.cmpi slt, %jit3A_207, %sign3A_219 : i32
      %sign3A_221 = arith.extui %sign3A_220 : i1 to i32
      %sign3A_222 = arith.subi %sign3A_218, %sign3A_221 : i32
      %ne3A_223 = arith.cmpi ne, %sign3A_215, %sign3A_222 : i32
      %rem3A_224 = arith.remsi %reduce_sum3A_206, %jit3A_207 : i32
      %ne3A_225 = arith.constant 0 : i32
      %ne3A_226 = arith.cmpi ne, %rem3A_224, %ne3A_225 : i32
      %and3A_227 = arith.andi %ne3A_223, %ne3A_226 : i1
      %sub3A_228 = arith.constant 1 : i32
      %sub3A_229 = arith.subi %div3A_208, %sub3A_228 : i32
      %select_n3A_230 = arith.select %and3A_227, %sub3A_229, %div3A_208 : i32
      %mul3A_231 = arith.constant 128 : i32
      %mul3A_232 = arith.muli %select_n3A_230, %mul3A_231 : i32
      %multiple_of3A_233 = tpu.assume_multiple %mul3A_232, 128 : i32
      %sub3A_234 = arith.subi %reduce_sum3A_206, %multiple_of3A_233 : i32
      %dma_start3A_235 = arith.constant 4 : i32
      %dma_start3A_236 = arith.constant 0 : i32
      %dma_start3A_237 = arith.constant 0 : i32
      %dma_start3A_238 = tpu.memref_slice %arg6[%dma_start3A_235, %dma_start3A_236, %dma_start3A_237] : memref<8x64x128xf32, #tpu.memory_space<vmem>> -> memref<1x64x128xf32, #tpu.memory_space<vmem>>
      %dma_start3A_239 = tpu.memref_squeeze %dma_start3A_238 : memref<1x64x128xf32, #tpu.memory_space<vmem>> -> memref<64x128xf32, #tpu.memory_space<vmem>>
      %dma_start3A_240 = arith.constant 0 : i32
      %dma_start3A_241 = tpu.memref_slice %arg2[%dma_start3A_240, %multiple_of3A_233] : memref<64x100000xf32, #tpu.memory_space<hbm>> -> memref<64x128xf32, #tpu.memory_space<hbm>>
      %dma_start3A_242 = arith.constant 0 : i32
      %dma_start3A_243 = arith.constant 0 : i32
      %dma_start3A_244 = tpu.memref_slice %arg6[%dma_start3A_235, %dma_start3A_242, %dma_start3A_243] : memref<8x64x128xf32, #tpu.memory_space<vmem>> -> memref<1x64x128xf32, #tpu.memory_space<vmem>>
      %dma_start3A_245 = tpu.memref_squeeze %dma_start3A_244 : memref<1x64x128xf32, #tpu.memory_space<vmem>> -> memref<64x128xf32, #tpu.memory_space<vmem>>
      %dma_start3A_246 = arith.constant 0 : i32
      %dma_start3A_247 = tpu.memref_slice %arg2[%dma_start3A_246, %multiple_of3A_233] : memref<64x100000xf32, #tpu.memory_space<hbm>> -> memref<64x128xf32, #tpu.memory_space<hbm>>
      tpu.enqueue_dma source(%dma_start3A_247 : memref<64x128xf32, #tpu.memory_space<hbm>>) target(%dma_start3A_245 : memref<64x128xf32, #tpu.memory_space<vmem>>) target_semaphore(%arg8 : memref<!tpu.dma_semaphore, #tpu.memory_space<semaphore_mem>>)
      %eq3A_248 = arith.constant 5 : i32
      %eq3A_249 = vector.broadcast %eq3A_248 : i32 to vector<16xi32>
      %eq3A_250 = arith.cmpi eq, %iota3A, %eq3A_249 : vector<16xi32>
      %jit3A_251 = arith.constant 0 : i32
      %broadcast_in_dim3A_252 = vector.broadcast %jit3A_251 : i32 to vector<16xi32>
      %select_n3A_253 = arith.select %eq3A_250, %get3A_5, %broadcast_in_dim3A_252 : vector<16xi1>, vector<16xi32>
      %reduce_sum3A_254 = arith.constant true
      %reduce_sum3A_255 = vector.broadcast %reduce_sum3A_254 : i1 to vector<16xi1>
      %reduce_sum3A_256 = tpu.scan <sum>, %select_n3A_253 masked %reduce_sum3A_255 : vector<16xi32>, vector<16xi1> -> vector<16xi32>
      %reduce_sum3A_257 = vector.extract %reduce_sum3A_256[15] : i32 from vector<16xi32>
      %jit3A_258 = arith.constant 128 : i32
      %div3A_259 = arith.divsi %reduce_sum3A_257, %jit3A_258 : i32
      %sign3A_260 = arith.constant 0 : i32
      %sign3A_261 = arith.cmpi sgt, %reduce_sum3A_257, %sign3A_260 : i32
      %sign3A_262 = arith.extui %sign3A_261 : i1 to i32
      %sign3A_263 = arith.constant 0 : i32
      %sign3A_264 = arith.cmpi slt, %reduce_sum3A_257, %sign3A_263 : i32
      %sign3A_265 = arith.extui %sign3A_264 : i1 to i32
      %sign3A_266 = arith.subi %sign3A_262, %sign3A_265 : i32
      %sign3A_267 = arith.constant 0 : i32
      %sign3A_268 = arith.cmpi sgt, %jit3A_258, %sign3A_267 : i32
      %sign3A_269 = arith.extui %sign3A_268 : i1 to i32
      %sign3A_270 = arith.constant 0 : i32
      %sign3A_271 = arith.cmpi slt, %jit3A_258, %sign3A_270 : i32
      %sign3A_272 = arith.extui %sign3A_271 : i1 to i32
      %sign3A_273 = arith.subi %sign3A_269, %sign3A_272 : i32
      %ne3A_274 = arith.cmpi ne, %sign3A_266, %sign3A_273 : i32
      %rem3A_275 = arith.remsi %reduce_sum3A_257, %jit3A_258 : i32
      %ne3A_276 = arith.constant 0 : i32
      %ne3A_277 = arith.cmpi ne, %rem3A_275, %ne3A_276 : i32
      %and3A_278 = arith.andi %ne3A_274, %ne3A_277 : i1
      %sub3A_279 = arith.constant 1 : i32
      %sub3A_280 = arith.subi %div3A_259, %sub3A_279 : i32
      %select_n3A_281 = arith.select %and3A_278, %sub3A_280, %div3A_259 : i32
      %mul3A_282 = arith.constant 128 : i32
      %mul3A_283 = arith.muli %select_n3A_281, %mul3A_282 : i32
      %multiple_of3A_284 = tpu.assume_multiple %mul3A_283, 128 : i32
      %sub3A_285 = arith.subi %reduce_sum3A_257, %multiple_of3A_284 : i32
      %dma_start3A_286 = arith.constant 5 : i32
      %dma_start3A_287 = arith.constant 0 : i32
      %dma_start3A_288 = arith.constant 0 : i32
      %dma_start3A_289 = tpu.memref_slice %arg6[%dma_start3A_286, %dma_start3A_287, %dma_start3A_288] : memref<8x64x128xf32, #tpu.memory_space<vmem>> -> memref<1x64x128xf32, #tpu.memory_space<vmem>>
      %dma_start3A_290 = tpu.memref_squeeze %dma_start3A_289 : memref<1x64x128xf32, #tpu.memory_space<vmem>> -> memref<64x128xf32, #tpu.memory_space<vmem>>
      %dma_start3A_291 = arith.constant 0 : i32
      %dma_start3A_292 = tpu.memref_slice %arg2[%dma_start3A_291, %multiple_of3A_284] : memref<64x100000xf32, #tpu.memory_space<hbm>> -> memref<64x128xf32, #tpu.memory_space<hbm>>
      %dma_start3A_293 = arith.constant 0 : i32
      %dma_start3A_294 = arith.constant 0 : i32
      %dma_start3A_295 = tpu.memref_slice %arg6[%dma_start3A_286, %dma_start3A_293, %dma_start3A_294] : memref<8x64x128xf32, #tpu.memory_space<vmem>> -> memref<1x64x128xf32, #tpu.memory_space<vmem>>
      %dma_start3A_296 = tpu.memref_squeeze %dma_start3A_295 : memref<1x64x128xf32, #tpu.memory_space<vmem>> -> memref<64x128xf32, #tpu.memory_space<vmem>>
      %dma_start3A_297 = arith.constant 0 : i32
      %dma_start3A_298 = tpu.memref_slice %arg2[%dma_start3A_297, %multiple_of3A_284] : memref<64x100000xf32, #tpu.memory_space<hbm>> -> memref<64x128xf32, #tpu.memory_space<hbm>>
      tpu.enqueue_dma source(%dma_start3A_298 : memref<64x128xf32, #tpu.memory_space<hbm>>) target(%dma_start3A_296 : memref<64x128xf32, #tpu.memory_space<vmem>>) target_semaphore(%arg8 : memref<!tpu.dma_semaphore, #tpu.memory_space<semaphore_mem>>)
      %eq3A_299 = arith.constant 6 : i32
      %eq3A_300 = vector.broadcast %eq3A_299 : i32 to vector<16xi32>
      %eq3A_301 = arith.cmpi eq, %iota3A, %eq3A_300 : vector<16xi32>
      %jit3A_302 = arith.constant 0 : i32
      %broadcast_in_dim3A_303 = vector.broadcast %jit3A_302 : i32 to vector<16xi32>
      %select_n3A_304 = arith.select %eq3A_301, %get3A_5, %broadcast_in_dim3A_303 : vector<16xi1>, vector<16xi32>
      %reduce_sum3A_305 = arith.constant true
      %reduce_sum3A_306 = vector.broadcast %reduce_sum3A_305 : i1 to vector<16xi1>
      %reduce_sum3A_307 = tpu.scan <sum>, %select_n3A_304 masked %reduce_sum3A_306 : vector<16xi32>, vector<16xi1> -> vector<16xi32>
      %reduce_sum3A_308 = vector.extract %reduce_sum3A_307[15] : i32 from vector<16xi32>
      %jit3A_309 = arith.constant 128 : i32
      %div3A_310 = arith.divsi %reduce_sum3A_308, %jit3A_309 : i32
      %sign3A_311 = arith.constant 0 : i32
      %sign3A_312 = arith.cmpi sgt, %reduce_sum3A_308, %sign3A_311 : i32
      %sign3A_313 = arith.extui %sign3A_312 : i1 to i32
      %sign3A_314 = arith.constant 0 : i32
      %sign3A_315 = arith.cmpi slt, %reduce_sum3A_308, %sign3A_314 : i32
      %sign3A_316 = arith.extui %sign3A_315 : i1 to i32
      %sign3A_317 = arith.subi %sign3A_313, %sign3A_316 : i32
      %sign3A_318 = arith.constant 0 : i32
      %sign3A_319 = arith.cmpi sgt, %jit3A_309, %sign3A_318 : i32
      %sign3A_320 = arith.extui %sign3A_319 : i1 to i32
      %sign3A_321 = arith.constant 0 : i32
      %sign3A_322 = arith.cmpi slt, %jit3A_309, %sign3A_321 : i32
      %sign3A_323 = arith.extui %sign3A_322 : i1 to i32
      %sign3A_324 = arith.subi %sign3A_320, %sign3A_323 : i32
      %ne3A_325 = arith.cmpi ne, %sign3A_317, %sign3A_324 : i32
      %rem3A_326 = arith.remsi %reduce_sum3A_308, %jit3A_309 : i32
      %ne3A_327 = arith.constant 0 : i32
      %ne3A_328 = arith.cmpi ne, %rem3A_326, %ne3A_327 : i32
      %and3A_329 = arith.andi %ne3A_325, %ne3A_328 : i1
      %sub3A_330 = arith.constant 1 : i32
      %sub3A_331 = arith.subi %div3A_310, %sub3A_330 : i32
      %select_n3A_332 = arith.select %and3A_329, %sub3A_331, %div3A_310 : i32
      %mul3A_333 = arith.constant 128 : i32
      %mul3A_334 = arith.muli %select_n3A_332, %mul3A_333 : i32
      %multiple_of3A_335 = tpu.assume_multiple %mul3A_334, 128 : i32
      %sub3A_336 = arith.subi %reduce_sum3A_308, %multiple_of3A_335 : i32
      %dma_start3A_337 = arith.constant 6 : i32
      %dma_start3A_338 = arith.constant 0 : i32
      %dma_start3A_339 = arith.constant 0 : i32
      %dma_start3A_340 = tpu.memref_slice %arg6[%dma_start3A_337, %dma_start3A_338, %dma_start3A_339] : memref<8x64x128xf32, #tpu.memory_space<vmem>> -> memref<1x64x128xf32, #tpu.memory_space<vmem>>
      %dma_start3A_341 = tpu.memref_squeeze %dma_start3A_340 : memref<1x64x128xf32, #tpu.memory_space<vmem>> -> memref<64x128xf32, #tpu.memory_space<vmem>>
      %dma_start3A_342 = arith.constant 0 : i32
      %dma_start3A_343 = tpu.memref_slice %arg2[%dma_start3A_342, %multiple_of3A_335] : memref<64x100000xf32, #tpu.memory_space<hbm>> -> memref<64x128xf32, #tpu.memory_space<hbm>>
      %dma_start3A_344 = arith.constant 0 : i32
      %dma_start3A_345 = arith.constant 0 : i32
      %dma_start3A_346 = tpu.memref_slice %arg6[%dma_start3A_337, %dma_start3A_344, %dma_start3A_345] : memref<8x64x128xf32, #tpu.memory_space<vmem>> -> memref<1x64x128xf32, #tpu.memory_space<vmem>>
      %dma_start3A_347 = tpu.memref_squeeze %dma_start3A_346 : memref<1x64x128xf32, #tpu.memory_space<vmem>> -> memref<64x128xf32, #tpu.memory_space<vmem>>
      %dma_start3A_348 = arith.constant 0 : i32
      %dma_start3A_349 = tpu.memref_slice %arg2[%dma_start3A_348, %multiple_of3A_335] : memref<64x100000xf32, #tpu.memory_space<hbm>> -> memref<64x128xf32, #tpu.memory_space<hbm>>
      tpu.enqueue_dma source(%dma_start3A_349 : memref<64x128xf32, #tpu.memory_space<hbm>>) target(%dma_start3A_347 : memref<64x128xf32, #tpu.memory_space<vmem>>) target_semaphore(%arg8 : memref<!tpu.dma_semaphore, #tpu.memory_space<semaphore_mem>>)
      %eq3A_350 = arith.constant 7 : i32
      %eq3A_351 = vector.broadcast %eq3A_350 : i32 to vector<16xi32>
      %eq3A_352 = arith.cmpi eq, %iota3A, %eq3A_351 : vector<16xi32>
      %jit3A_353 = arith.constant 0 : i32
      %broadcast_in_dim3A_354 = vector.broadcast %jit3A_353 : i32 to vector<16xi32>
      %select_n3A_355 = arith.select %eq3A_352, %get3A_5, %broadcast_in_dim3A_354 : vector<16xi1>, vector<16xi32>
      %reduce_sum3A_356 = arith.constant true
      %reduce_sum3A_357 = vector.broadcast %reduce_sum3A_356 : i1 to vector<16xi1>
      %reduce_sum3A_358 = tpu.scan <sum>, %select_n3A_355 masked %reduce_sum3A_357 : vector<16xi32>, vector<16xi1> -> vector<16xi32>
      %reduce_sum3A_359 = vector.extract %reduce_sum3A_358[15] : i32 from vector<16xi32>
      %jit3A_360 = arith.constant 128 : i32
      %div3A_361 = arith.divsi %reduce_sum3A_359, %jit3A_360 : i32
      %sign3A_362 = arith.constant 0 : i32
      %sign3A_363 = arith.cmpi sgt, %reduce_sum3A_359, %sign3A_362 : i32
      %sign3A_364 = arith.extui %sign3A_363 : i1 to i32
      %sign3A_365 = arith.constant 0 : i32
      %sign3A_366 = arith.cmpi slt, %reduce_sum3A_359, %sign3A_365 : i32
      %sign3A_367 = arith.extui %sign3A_366 : i1 to i32
      %sign3A_368 = arith.subi %sign3A_364, %sign3A_367 : i32
      %sign3A_369 = arith.constant 0 : i32
      %sign3A_370 = arith.cmpi sgt, %jit3A_360, %sign3A_369 : i32
      %sign3A_371 = arith.extui %sign3A_370 : i1 to i32
      %sign3A_372 = arith.constant 0 : i32
      %sign3A_373 = arith.cmpi slt, %jit3A_360, %sign3A_372 : i32
      %sign3A_374 = arith.extui %sign3A_373 : i1 to i32
      %sign3A_375 = arith.subi %sign3A_371, %sign3A_374 : i32
      %ne3A_376 = arith.cmpi ne, %sign3A_368, %sign3A_375 : i32
      %rem3A_377 = arith.remsi %reduce_sum3A_359, %jit3A_360 : i32
      %ne3A_378 = arith.constant 0 : i32
      %ne3A_379 = arith.cmpi ne, %rem3A_377, %ne3A_378 : i32
      %and3A_380 = arith.andi %ne3A_376, %ne3A_379 : i1
      %sub3A_381 = arith.constant 1 : i32
      %sub3A_382 = arith.subi %div3A_361, %sub3A_381 : i32
      %select_n3A_383 = arith.select %and3A_380, %sub3A_382, %div3A_361 : i32
      %mul3A_384 = arith.constant 128 : i32
      %mul3A_385 = arith.muli %select_n3A_383, %mul3A_384 : i32
      %multiple_of3A_386 = tpu.assume_multiple %mul3A_385, 128 : i32
      %sub3A_387 = arith.subi %reduce_sum3A_359, %multiple_of3A_386 : i32
      %dma_start3A_388 = arith.constant 7 : i32
      %dma_start3A_389 = arith.constant 0 : i32
      %dma_start3A_390 = arith.constant 0 : i32
      %dma_start3A_391 = tpu.memref_slice %arg6[%dma_start3A_388, %dma_start3A_389, %dma_start3A_390] : memref<8x64x128xf32, #tpu.memory_space<vmem>> -> memref<1x64x128xf32, #tpu.memory_space<vmem>>
      %dma_start3A_392 = tpu.memref_squeeze %dma_start3A_391 : memref<1x64x128xf32, #tpu.memory_space<vmem>> -> memref<64x128xf32, #tpu.memory_space<vmem>>
      %dma_start3A_393 = arith.constant 0 : i32
      %dma_start3A_394 = tpu.memref_slice %arg2[%dma_start3A_393, %multiple_of3A_386] : memref<64x100000xf32, #tpu.memory_space<hbm>> -> memref<64x128xf32, #tpu.memory_space<hbm>>
      %dma_start3A_395 = arith.constant 0 : i32
      %dma_start3A_396 = arith.constant 0 : i32
      %dma_start3A_397 = tpu.memref_slice %arg6[%dma_start3A_388, %dma_start3A_395, %dma_start3A_396] : memref<8x64x128xf32, #tpu.memory_space<vmem>> -> memref<1x64x128xf32, #tpu.memory_space<vmem>>
      %dma_start3A_398 = tpu.memref_squeeze %dma_start3A_397 : memref<1x64x128xf32, #tpu.memory_space<vmem>> -> memref<64x128xf32, #tpu.memory_space<vmem>>
      %dma_start3A_399 = arith.constant 0 : i32
      %dma_start3A_400 = tpu.memref_slice %arg2[%dma_start3A_399, %multiple_of3A_386] : memref<64x100000xf32, #tpu.memory_space<hbm>> -> memref<64x128xf32, #tpu.memory_space<hbm>>
      tpu.enqueue_dma source(%dma_start3A_400 : memref<64x128xf32, #tpu.memory_space<hbm>>) target(%dma_start3A_398 : memref<64x128xf32, #tpu.memory_space<vmem>>) target_semaphore(%arg8 : memref<!tpu.dma_semaphore, #tpu.memory_space<semaphore_mem>>)
      %dma_wait3A = arith.constant 0 : i32
      %dma_wait3A_401 = arith.constant 0 : i32
      %dma_wait3A_402 = arith.constant 0 : i32
      %dma_wait3A_403 = tpu.memref_slice %arg6[%dma_wait3A, %dma_wait3A_401, %dma_wait3A_402] : memref<8x64x128xf32, #tpu.memory_space<vmem>> -> memref<1x64x128xf32, #tpu.memory_space<vmem>>
      %dma_wait3A_404 = tpu.memref_squeeze %dma_wait3A_403 : memref<1x64x128xf32, #tpu.memory_space<vmem>> -> memref<64x128xf32, #tpu.memory_space<vmem>>
      %dma_wait3A_405 = arith.constant 0 : i32
      %dma_wait3A_406 = tpu.memref_slice %arg2[%dma_wait3A_405, %multiple_of3A] : memref<64x100000xf32, #tpu.memory_space<hbm>> -> memref<64x128xf32, #tpu.memory_space<hbm>>
      %dma_wait3A_407 = arith.constant 0 : i32
      %dma_wait3A_408 = arith.constant 0 : i32
      %dma_wait3A_409 = tpu.memref_slice %arg6[%dma_wait3A, %dma_wait3A_407, %dma_wait3A_408] : memref<8x64x128xf32, #tpu.memory_space<vmem>> -> memref<1x64x128xf32, #tpu.memory_space<vmem>>
      %dma_wait3A_410 = tpu.memref_squeeze %dma_wait3A_409 : memref<1x64x128xf32, #tpu.memory_space<vmem>> -> memref<64x128xf32, #tpu.memory_space<vmem>>
      %dma_wait3A_411 = arith.constant 0 : i32
      %dma_wait3A_412 = tpu.memref_slice %arg2[%dma_wait3A_411, %multiple_of3A] : memref<64x100000xf32, #tpu.memory_space<hbm>> -> memref<64x128xf32, #tpu.memory_space<hbm>>
      tpu.wait_dma2 semaphore(%arg8 : memref<!tpu.dma_semaphore, #tpu.memory_space<semaphore_mem>>) src(%dma_wait3A_412 : memref<64x128xf32, #tpu.memory_space<hbm>>) dst(%dma_wait3A_410 : memref<64x128xf32, #tpu.memory_space<vmem>>)
      %dma_wait3A_413 = arith.constant 1 : i32
      %dma_wait3A_414 = arith.constant 0 : i32
      %dma_wait3A_415 = arith.constant 0 : i32
      %dma_wait3A_416 = tpu.memref_slice %arg6[%dma_wait3A_413, %dma_wait3A_414, %dma_wait3A_415] : memref<8x64x128xf32, #tpu.memory_space<vmem>> -> memref<1x64x128xf32, #tpu.memory_space<vmem>>
      %dma_wait3A_417 = tpu.memref_squeeze %dma_wait3A_416 : memref<1x64x128xf32, #tpu.memory_space<vmem>> -> memref<64x128xf32, #tpu.memory_space<vmem>>
      %dma_wait3A_418 = arith.constant 0 : i32
      %dma_wait3A_419 = tpu.memref_slice %arg2[%dma_wait3A_418, %multiple_of3A_80] : memref<64x100000xf32, #tpu.memory_space<hbm>> -> memref<64x128xf32, #tpu.memory_space<hbm>>
      %dma_wait3A_420 = arith.constant 0 : i32
      %dma_wait3A_421 = arith.constant 0 : i32
      %dma_wait3A_422 = tpu.memref_slice %arg6[%dma_wait3A_413, %dma_wait3A_420, %dma_wait3A_421] : memref<8x64x128xf32, #tpu.memory_space<vmem>> -> memref<1x64x128xf32, #tpu.memory_space<vmem>>
      %dma_wait3A_423 = tpu.memref_squeeze %dma_wait3A_422 : memref<1x64x128xf32, #tpu.memory_space<vmem>> -> memref<64x128xf32, #tpu.memory_space<vmem>>
      %dma_wait3A_424 = arith.constant 0 : i32
      %dma_wait3A_425 = tpu.memref_slice %arg2[%dma_wait3A_424, %multiple_of3A_80] : memref<64x100000xf32, #tpu.memory_space<hbm>> -> memref<64x128xf32, #tpu.memory_space<hbm>>
      tpu.wait_dma2 semaphore(%arg8 : memref<!tpu.dma_semaphore, #tpu.memory_space<semaphore_mem>>) src(%dma_wait3A_425 : memref<64x128xf32, #tpu.memory_space<hbm>>) dst(%dma_wait3A_423 : memref<64x128xf32, #tpu.memory_space<vmem>>)
      %dma_wait3A_426 = arith.constant 2 : i32
      %dma_wait3A_427 = arith.constant 0 : i32
      %dma_wait3A_428 = arith.constant 0 : i32
      %dma_wait3A_429 = tpu.memref_slice %arg6[%dma_wait3A_426, %dma_wait3A_427, %dma_wait3A_428] : memref<8x64x128xf32, #tpu.memory_space<vmem>> -> memref<1x64x128xf32, #tpu.memory_space<vmem>>
      %dma_wait3A_430 = tpu.memref_squeeze %dma_wait3A_429 : memref<1x64x128xf32, #tpu.memory_space<vmem>> -> memref<64x128xf32, #tpu.memory_space<vmem>>
      %dma_wait3A_431 = arith.constant 0 : i32
      %dma_wait3A_432 = tpu.memref_slice %arg2[%dma_wait3A_431, %multiple_of3A_131] : memref<64x100000xf32, #tpu.memory_space<hbm>> -> memref<64x128xf32, #tpu.memory_space<hbm>>
      %dma_wait3A_433 = arith.constant 0 : i32
      %dma_wait3A_434 = arith.constant 0 : i32
      %dma_wait3A_435 = tpu.memref_slice %arg6[%dma_wait3A_426, %dma_wait3A_433, %dma_wait3A_434] : memref<8x64x128xf32, #tpu.memory_space<vmem>> -> memref<1x64x128xf32, #tpu.memory_space<vmem>>
      %dma_wait3A_436 = tpu.memref_squeeze %dma_wait3A_435 : memref<1x64x128xf32, #tpu.memory_space<vmem>> -> memref<64x128xf32, #tpu.memory_space<vmem>>
      %dma_wait3A_437 = arith.constant 0 : i32
      %dma_wait3A_438 = tpu.memref_slice %arg2[%dma_wait3A_437, %multiple_of3A_131] : memref<64x100000xf32, #tpu.memory_space<hbm>> -> memref<64x128xf32, #tpu.memory_space<hbm>>
      tpu.wait_dma2 semaphore(%arg8 : memref<!tpu.dma_semaphore, #tpu.memory_space<semaphore_mem>>) src(%dma_wait3A_438 : memref<64x128xf32, #tpu.memory_space<hbm>>) dst(%dma_wait3A_436 : memref<64x128xf32, #tpu.memory_space<vmem>>)
      %dma_wait3A_439 = arith.constant 3 : i32
      %dma_wait3A_440 = arith.constant 0 : i32
      %dma_wait3A_441 = arith.constant 0 : i32
      %dma_wait3A_442 = tpu.memref_slice %arg6[%dma_wait3A_439, %dma_wait3A_440, %dma_wait3A_441] : memref<8x64x128xf32, #tpu.memory_space<vmem>> -> memref<1x64x128xf32, #tpu.memory_space<vmem>>
      %dma_wait3A_443 = tpu.memref_squeeze %dma_wait3A_442 : memref<1x64x128xf32, #tpu.memory_space<vmem>> -> memref<64x128xf32, #tpu.memory_space<vmem>>
      %dma_wait3A_444 = arith.constant 0 : i32
      %dma_wait3A_445 = tpu.memref_slice %arg2[%dma_wait3A_444, %multiple_of3A_182] : memref<64x100000xf32, #tpu.memory_space<hbm>> -> memref<64x128xf32, #tpu.memory_space<hbm>>
      %dma_wait3A_446 = arith.constant 0 : i32
      %dma_wait3A_447 = arith.constant 0 : i32
      %dma_wait3A_448 = tpu.memref_slice %arg6[%dma_wait3A_439, %dma_wait3A_446, %dma_wait3A_447] : memref<8x64x128xf32, #tpu.memory_space<vmem>> -> memref<1x64x128xf32, #tpu.memory_space<vmem>>
      %dma_wait3A_449 = tpu.memref_squeeze %dma_wait3A_448 : memref<1x64x128xf32, #tpu.memory_space<vmem>> -> memref<64x128xf32, #tpu.memory_space<vmem>>
      %dma_wait3A_450 = arith.constant 0 : i32
      %dma_wait3A_451 = tpu.memref_slice %arg2[%dma_wait3A_450, %multiple_of3A_182] : memref<64x100000xf32, #tpu.memory_space<hbm>> -> memref<64x128xf32, #tpu.memory_space<hbm>>
      tpu.wait_dma2 semaphore(%arg8 : memref<!tpu.dma_semaphore, #tpu.memory_space<semaphore_mem>>) src(%dma_wait3A_451 : memref<64x128xf32, #tpu.memory_space<hbm>>) dst(%dma_wait3A_449 : memref<64x128xf32, #tpu.memory_space<vmem>>)
      %dma_wait3A_452 = arith.constant 4 : i32
      %dma_wait3A_453 = arith.constant 0 : i32
      %dma_wait3A_454 = arith.constant 0 : i32
      %dma_wait3A_455 = tpu.memref_slice %arg6[%dma_wait3A_452, %dma_wait3A_453, %dma_wait3A_454] : memref<8x64x128xf32, #tpu.memory_space<vmem>> -> memref<1x64x128xf32, #tpu.memory_space<vmem>>
      %dma_wait3A_456 = tpu.memref_squeeze %dma_wait3A_455 : memref<1x64x128xf32, #tpu.memory_space<vmem>> -> memref<64x128xf32, #tpu.memory_space<vmem>>
      %dma_wait3A_457 = arith.constant 0 : i32
      %dma_wait3A_458 = tpu.memref_slice %arg2[%dma_wait3A_457, %multiple_of3A_233] : memref<64x100000xf32, #tpu.memory_space<hbm>> -> memref<64x128xf32, #tpu.memory_space<hbm>>
      %dma_wait3A_459 = arith.constant 0 : i32
      %dma_wait3A_460 = arith.constant 0 : i32
      %dma_wait3A_461 = tpu.memref_slice %arg6[%dma_wait3A_452, %dma_wait3A_459, %dma_wait3A_460] : memref<8x64x128xf32, #tpu.memory_space<vmem>> -> memref<1x64x128xf32, #tpu.memory_space<vmem>>
      %dma_wait3A_462 = tpu.memref_squeeze %dma_wait3A_461 : memref<1x64x128xf32, #tpu.memory_space<vmem>> -> memref<64x128xf32, #tpu.memory_space<vmem>>
      %dma_wait3A_463 = arith.constant 0 : i32
      %dma_wait3A_464 = tpu.memref_slice %arg2[%dma_wait3A_463, %multiple_of3A_233] : memref<64x100000xf32, #tpu.memory_space<hbm>> -> memref<64x128xf32, #tpu.memory_space<hbm>>
      tpu.wait_dma2 semaphore(%arg8 : memref<!tpu.dma_semaphore, #tpu.memory_space<semaphore_mem>>) src(%dma_wait3A_464 : memref<64x128xf32, #tpu.memory_space<hbm>>) dst(%dma_wait3A_462 : memref<64x128xf32, #tpu.memory_space<vmem>>)
      %dma_wait3A_465 = arith.constant 5 : i32
      %dma_wait3A_466 = arith.constant 0 : i32
      %dma_wait3A_467 = arith.constant 0 : i32
      %dma_wait3A_468 = tpu.memref_slice %arg6[%dma_wait3A_465, %dma_wait3A_466, %dma_wait3A_467] : memref<8x64x128xf32, #tpu.memory_space<vmem>> -> memref<1x64x128xf32, #tpu.memory_space<vmem>>
      %dma_wait3A_469 = tpu.memref_squeeze %dma_wait3A_468 : memref<1x64x128xf32, #tpu.memory_space<vmem>> -> memref<64x128xf32, #tpu.memory_space<vmem>>
      %dma_wait3A_470 = arith.constant 0 : i32
      %dma_wait3A_471 = tpu.memref_slice %arg2[%dma_wait3A_470, %multiple_of3A_284] : memref<64x100000xf32, #tpu.memory_space<hbm>> -> memref<64x128xf32, #tpu.memory_space<hbm>>
      %dma_wait3A_472 = arith.constant 0 : i32
      %dma_wait3A_473 = arith.constant 0 : i32
      %dma_wait3A_474 = tpu.memref_slice %arg6[%dma_wait3A_465, %dma_wait3A_472, %dma_wait3A_473] : memref<8x64x128xf32, #tpu.memory_space<vmem>> -> memref<1x64x128xf32, #tpu.memory_space<vmem>>
      %dma_wait3A_475 = tpu.memref_squeeze %dma_wait3A_474 : memref<1x64x128xf32, #tpu.memory_space<vmem>> -> memref<64x128xf32, #tpu.memory_space<vmem>>
      %dma_wait3A_476 = arith.constant 0 : i32
      %dma_wait3A_477 = tpu.memref_slice %arg2[%dma_wait3A_476, %multiple_of3A_284] : memref<64x100000xf32, #tpu.memory_space<hbm>> -> memref<64x128xf32, #tpu.memory_space<hbm>>
      tpu.wait_dma2 semaphore(%arg8 : memref<!tpu.dma_semaphore, #tpu.memory_space<semaphore_mem>>) src(%dma_wait3A_477 : memref<64x128xf32, #tpu.memory_space<hbm>>) dst(%dma_wait3A_475 : memref<64x128xf32, #tpu.memory_space<vmem>>)
      %dma_wait3A_478 = arith.constant 6 : i32
      %dma_wait3A_479 = arith.constant 0 : i32
      %dma_wait3A_480 = arith.constant 0 : i32
      %dma_wait3A_481 = tpu.memref_slice %arg6[%dma_wait3A_478, %dma_wait3A_479, %dma_wait3A_480] : memref<8x64x128xf32, #tpu.memory_space<vmem>> -> memref<1x64x128xf32, #tpu.memory_space<vmem>>
      %dma_wait3A_482 = tpu.memref_squeeze %dma_wait3A_481 : memref<1x64x128xf32, #tpu.memory_space<vmem>> -> memref<64x128xf32, #tpu.memory_space<vmem>>
      %dma_wait3A_483 = arith.constant 0 : i32
      %dma_wait3A_484 = tpu.memref_slice %arg2[%dma_wait3A_483, %multiple_of3A_335] : memref<64x100000xf32, #tpu.memory_space<hbm>> -> memref<64x128xf32, #tpu.memory_space<hbm>>
      %dma_wait3A_485 = arith.constant 0 : i32
      %dma_wait3A_486 = arith.constant 0 : i32
      %dma_wait3A_487 = tpu.memref_slice %arg6[%dma_wait3A_478, %dma_wait3A_485, %dma_wait3A_486] : memref<8x64x128xf32, #tpu.memory_space<vmem>> -> memref<1x64x128xf32, #tpu.memory_space<vmem>>
      %dma_wait3A_488 = tpu.memref_squeeze %dma_wait3A_487 : memref<1x64x128xf32, #tpu.memory_space<vmem>> -> memref<64x128xf32, #tpu.memory_space<vmem>>
      %dma_wait3A_489 = arith.constant 0 : i32
      %dma_wait3A_490 = tpu.memref_slice %arg2[%dma_wait3A_489, %multiple_of3A_335] : memref<64x100000xf32, #tpu.memory_space<hbm>> -> memref<64x128xf32, #tpu.memory_space<hbm>>
      tpu.wait_dma2 semaphore(%arg8 : memref<!tpu.dma_semaphore, #tpu.memory_space<semaphore_mem>>) src(%dma_wait3A_490 : memref<64x128xf32, #tpu.memory_space<hbm>>) dst(%dma_wait3A_488 : memref<64x128xf32, #tpu.memory_space<vmem>>)
      %dma_wait3A_491 = arith.constant 7 : i32
      %dma_wait3A_492 = arith.constant 0 : i32
      %dma_wait3A_493 = arith.constant 0 : i32
      %dma_wait3A_494 = tpu.memref_slice %arg6[%dma_wait3A_491, %dma_wait3A_492, %dma_wait3A_493] : memref<8x64x128xf32, #tpu.memory_space<vmem>> -> memref<1x64x128xf32, #tpu.memory_space<vmem>>
      %dma_wait3A_495 = tpu.memref_squeeze %dma_wait3A_494 : memref<1x64x128xf32, #tpu.memory_space<vmem>> -> memref<64x128xf32, #tpu.memory_space<vmem>>
      %dma_wait3A_496 = arith.constant 0 : i32
      %dma_wait3A_497 = tpu.memref_slice %arg2[%dma_wait3A_496, %multiple_of3A_386] : memref<64x100000xf32, #tpu.memory_space<hbm>> -> memref<64x128xf32, #tpu.memory_space<hbm>>
      %dma_wait3A_498 = arith.constant 0 : i32
      %dma_wait3A_499 = arith.constant 0 : i32
      %dma_wait3A_500 = tpu.memref_slice %arg6[%dma_wait3A_491, %dma_wait3A_498, %dma_wait3A_499] : memref<8x64x128xf32, #tpu.memory_space<vmem>> -> memref<1x64x128xf32, #tpu.memory_space<vmem>>
      %dma_wait3A_501 = tpu.memref_squeeze %dma_wait3A_500 : memref<1x64x128xf32, #tpu.memory_space<vmem>> -> memref<64x128xf32, #tpu.memory_space<vmem>>
      %dma_wait3A_502 = arith.constant 0 : i32
      %dma_wait3A_503 = tpu.memref_slice %arg2[%dma_wait3A_502, %multiple_of3A_386] : memref<64x100000xf32, #tpu.memory_space<hbm>> -> memref<64x128xf32, #tpu.memory_space<hbm>>
      tpu.wait_dma2 semaphore(%arg8 : memref<!tpu.dma_semaphore, #tpu.memory_space<semaphore_mem>>) src(%dma_wait3A_503 : memref<64x128xf32, #tpu.memory_space<hbm>>) dst(%dma_wait3A_501 : memref<64x128xf32, #tpu.memory_space<vmem>>)
      %broadcast_in_dim3A_504 = vector.broadcast %sub3A_31 : i32 to vector<16xi32>
      %add3A_505 = arith.constant 0 : i32
      %add3A_506 = vector.broadcast %add3A_505 : i32 to vector<16xi32>
      %add3A_507 = arith.addi %iota3A, %add3A_506 : vector<16xi32>
      %gather3A = arith.constant 0 : i32
      %gather3A_508 = arith.constant 0 : i32
      %gather3A_509 = arith.constant 0 : i32
      %gather3A_510 = tpu.memref_slice %arg6[%gather3A, %gather3A_508, %gather3A_509] : memref<8x64x128xf32, #tpu.memory_space<vmem>> -> memref<1x64x128xf32, #tpu.memory_space<vmem>>
      %gather3A_511 = tpu.memref_squeeze %gather3A_510 : memref<1x64x128xf32, #tpu.memory_space<vmem>> -> memref<64x128xf32, #tpu.memory_space<vmem>>
      %gather3A_512 = tpu.vector_load_idx %gather3A_511[%add3A_507, %broadcast_in_dim3A_504] : memref<64x128xf32, #tpu.memory_space<vmem>>[vector<16xi32>, vector<16xi32>], vector<16xf32>,
      %swap3A = arith.constant 0 : index
      %swap3A_513 = tpu.vector_load %arg7[%swap3A] {strides = array<i32>} : memref<512xf32, #tpu.memory_space<vmem>>, vector<16xf32>,
      tpu.vector_store %arg7[%swap3A], %gather3A_512 {strides = array<i32>} : memref<512xf32, #tpu.memory_space<vmem>>, vector<16xf32>,
      %add3A_514 = arith.constant 16 : i32
      %add3A_515 = vector.broadcast %add3A_514 : i32 to vector<16xi32>
      %add3A_516 = arith.addi %iota3A, %add3A_515 : vector<16xi32>
      %gather3A_517 = arith.constant 0 : i32
      %gather3A_518 = arith.constant 0 : i32
      %gather3A_519 = arith.constant 0 : i32
      %gather3A_520 = tpu.memref_slice %arg6[%gather3A_517, %gather3A_518, %gather3A_519] : memref<8x64x128xf32, #tpu.memory_space<vmem>> -> memref<1x64x128xf32, #tpu.memory_space<vmem>>
      %gather3A_521 = tpu.memref_squeeze %gather3A_520 : memref<1x64x128xf32, #tpu.memory_space<vmem>> -> memref<64x128xf32, #tpu.memory_space<vmem>>
      %gather3A_522 = tpu.vector_load_idx %gather3A_521[%add3A_516, %broadcast_in_dim3A_504] : memref<64x128xf32, #tpu.memory_space<vmem>>[vector<16xi32>, vector<16xi32>], vector<16xf32>,
      %swap3A_523 = arith.constant 16 : index
      %swap3A_524 = tpu.vector_load %arg7[%swap3A_523] {strides = array<i32>} : memref<512xf32, #tpu.memory_space<vmem>>, vector<16xf32>,
      tpu.vector_store %arg7[%swap3A_523], %gather3A_522 {strides = array<i32>} : memref<512xf32, #tpu.memory_space<vmem>>, vector<16xf32>,
      %add3A_525 = arith.constant 32 : i32
      %add3A_526 = vector.broadcast %add3A_525 : i32 to vector<16xi32>
      %add3A_527 = arith.addi %iota3A, %add3A_526 : vector<16xi32>
      %gather3A_528 = arith.constant 0 : i32
      %gather3A_529 = arith.constant 0 : i32
      %gather3A_530 = arith.constant 0 : i32
      %gather3A_531 = tpu.memref_slice %arg6[%gather3A_528, %gather3A_529, %gather3A_530] : memref<8x64x128xf32, #tpu.memory_space<vmem>> -> memref<1x64x128xf32, #tpu.memory_space<vmem>>
      %gather3A_532 = tpu.memref_squeeze %gather3A_531 : memref<1x64x128xf32, #tpu.memory_space<vmem>> -> memref<64x128xf32, #tpu.memory_space<vmem>>
      %gather3A_533 = tpu.vector_load_idx %gather3A_532[%add3A_527, %broadcast_in_dim3A_504] : memref<64x128xf32, #tpu.memory_space<vmem>>[vector<16xi32>, vector<16xi32>], vector<16xf32>,
      %swap3A_534 = arith.constant 32 : index
      %swap3A_535 = tpu.vector_load %arg7[%swap3A_534] {strides = array<i32>} : memref<512xf32, #tpu.memory_space<vmem>>, vector<16xf32>,
      tpu.vector_store %arg7[%swap3A_534], %gather3A_533 {strides = array<i32>} : memref<512xf32, #tpu.memory_space<vmem>>, vector<16xf32>,
      %add3A_536 = arith.constant 48 : i32
      %add3A_537 = vector.broadcast %add3A_536 : i32 to vector<16xi32>
      %add3A_538 = arith.addi %iota3A, %add3A_537 : vector<16xi32>
      %gather3A_539 = arith.constant 0 : i32
      %gather3A_540 = arith.constant 0 : i32
      %gather3A_541 = arith.constant 0 : i32
      %gather3A_542 = tpu.memref_slice %arg6[%gather3A_539, %gather3A_540, %gather3A_541] : memref<8x64x128xf32, #tpu.memory_space<vmem>> -> memref<1x64x128xf32, #tpu.memory_space<vmem>>
      %gather3A_543 = tpu.memref_squeeze %gather3A_542 : memref<1x64x128xf32, #tpu.memory_space<vmem>> -> memref<64x128xf32, #tpu.memory_space<vmem>>
      %gather3A_544 = tpu.vector_load_idx %gather3A_543[%add3A_538, %broadcast_in_dim3A_504] : memref<64x128xf32, #tpu.memory_space<vmem>>[vector<16xi32>, vector<16xi32>], vector<16xf32>,
      %swap3A_545 = arith.constant 48 : index
      %swap3A_546 = tpu.vector_load %arg7[%swap3A_545] {strides = array<i32>} : memref<512xf32, #tpu.memory_space<vmem>>, vector<16xf32>,
      tpu.vector_store %arg7[%swap3A_545], %gather3A_544 {strides = array<i32>} : memref<512xf32, #tpu.memory_space<vmem>>, vector<16xf32>,
      %broadcast_in_dim3A_547 = vector.broadcast %sub3A_81 : i32 to vector<16xi32>
      %add3A_548 = arith.constant 0 : i32
      %add3A_549 = vector.broadcast %add3A_548 : i32 to vector<16xi32>
      %add3A_550 = arith.addi %iota3A, %add3A_549 : vector<16xi32>
      %gather3A_551 = arith.constant 1 : i32
      %gather3A_552 = arith.constant 0 : i32
      %gather3A_553 = arith.constant 0 : i32
      %gather3A_554 = tpu.memref_slice %arg6[%gather3A_551, %gather3A_552, %gather3A_553] : memref<8x64x128xf32, #tpu.memory_space<vmem>> -> memref<1x64x128xf32, #tpu.memory_space<vmem>>
      %gather3A_555 = tpu.memref_squeeze %gather3A_554 : memref<1x64x128xf32, #tpu.memory_space<vmem>> -> memref<64x128xf32, #tpu.memory_space<vmem>>
      %gather3A_556 = tpu.vector_load_idx %gather3A_555[%add3A_550, %broadcast_in_dim3A_547] : memref<64x128xf32, #tpu.memory_space<vmem>>[vector<16xi32>, vector<16xi32>], vector<16xf32>,
      %swap3A_557 = arith.constant 64 : index
      %swap3A_558 = tpu.vector_load %arg7[%swap3A_557] {strides = array<i32>} : memref<512xf32, #tpu.memory_space<vmem>>, vector<16xf32>,
      tpu.vector_store %arg7[%swap3A_557], %gather3A_556 {strides = array<i32>} : memref<512xf32, #tpu.memory_space<vmem>>, vector<16xf32>,
      %add3A_559 = arith.constant 16 : i32
      %add3A_560 = vector.broadcast %add3A_559 : i32 to vector<16xi32>
      %add3A_561 = arith.addi %iota3A, %add3A_560 : vector<16xi32>
      %gather3A_562 = arith.constant 1 : i32
      %gather3A_563 = arith.constant 0 : i32
      %gather3A_564 = arith.constant 0 : i32
      %gather3A_565 = tpu.memref_slice %arg6[%gather3A_562, %gather3A_563, %gather3A_564] : memref<8x64x128xf32, #tpu.memory_space<vmem>> -> memref<1x64x128xf32, #tpu.memory_space<vmem>>
      %gather3A_566 = tpu.memref_squeeze %gather3A_565 : memref<1x64x128xf32, #tpu.memory_space<vmem>> -> memref<64x128xf32, #tpu.memory_space<vmem>>
      %gather3A_567 = tpu.vector_load_idx %gather3A_566[%add3A_561, %broadcast_in_dim3A_547] : memref<64x128xf32, #tpu.memory_space<vmem>>[vector<16xi32>, vector<16xi32>], vector<16xf32>,
      %swap3A_568 = arith.constant 80 : index
      %swap3A_569 = tpu.vector_load %arg7[%swap3A_568] {strides = array<i32>} : memref<512xf32, #tpu.memory_space<vmem>>, vector<16xf32>,
      tpu.vector_store %arg7[%swap3A_568], %gather3A_567 {strides = array<i32>} : memref<512xf32, #tpu.memory_space<vmem>>, vector<16xf32>,
      %add3A_570 = arith.constant 32 : i32
      %add3A_571 = vector.broadcast %add3A_570 : i32 to vector<16xi32>
      %add3A_572 = arith.addi %iota3A, %add3A_571 : vector<16xi32>
      %gather3A_573 = arith.constant 1 : i32
      %gather3A_574 = arith.constant 0 : i32
      %gather3A_575 = arith.constant 0 : i32
      %gather3A_576 = tpu.memref_slice %arg6[%gather3A_573, %gather3A_574, %gather3A_575] : memref<8x64x128xf32, #tpu.memory_space<vmem>> -> memref<1x64x128xf32, #tpu.memory_space<vmem>>
      %gather3A_577 = tpu.memref_squeeze %gather3A_576 : memref<1x64x128xf32, #tpu.memory_space<vmem>> -> memref<64x128xf32, #tpu.memory_space<vmem>>
      %gather3A_578 = tpu.vector_load_idx %gather3A_577[%add3A_572, %broadcast_in_dim3A_547] : memref<64x128xf32, #tpu.memory_space<vmem>>[vector<16xi32>, vector<16xi32>], vector<16xf32>,
      %swap3A_579 = arith.constant 96 : index
      %swap3A_580 = tpu.vector_load %arg7[%swap3A_579] {strides = array<i32>} : memref<512xf32, #tpu.memory_space<vmem>>, vector<16xf32>,
      tpu.vector_store %arg7[%swap3A_579], %gather3A_578 {strides = array<i32>} : memref<512xf32, #tpu.memory_space<vmem>>, vector<16xf32>,
      %add3A_581 = arith.constant 48 : i32
      %add3A_582 = vector.broadcast %add3A_581 : i32 to vector<16xi32>
      %add3A_583 = arith.addi %iota3A, %add3A_582 : vector<16xi32>
      %gather3A_584 = arith.constant 1 : i32
      %gather3A_585 = arith.constant 0 : i32
      %gather3A_586 = arith.constant 0 : i32
      %gather3A_587 = tpu.memref_slice %arg6[%gather3A_584, %gather3A_585, %gather3A_586] : memref<8x64x128xf32, #tpu.memory_space<vmem>> -> memref<1x64x128xf32, #tpu.memory_space<vmem>>
      %gather3A_588 = tpu.memref_squeeze %gather3A_587 : memref<1x64x128xf32, #tpu.memory_space<vmem>> -> memref<64x128xf32, #tpu.memory_space<vmem>>
      %gather3A_589 = tpu.vector_load_idx %gather3A_588[%add3A_583, %broadcast_in_dim3A_547] : memref<64x128xf32, #tpu.memory_space<vmem>>[vector<16xi32>, vector<16xi32>], vector<16xf32>,
      %swap3A_590 = arith.constant 112 : index
      %swap3A_591 = tpu.vector_load %arg7[%swap3A_590] {strides = array<i32>} : memref<512xf32, #tpu.memory_space<vmem>>, vector<16xf32>,
      tpu.vector_store %arg7[%swap3A_590], %gather3A_589 {strides = array<i32>} : memref<512xf32, #tpu.memory_space<vmem>>, vector<16xf32>,
      %broadcast_in_dim3A_592 = vector.broadcast %sub3A_132 : i32 to vector<16xi32>
      %add3A_593 = arith.constant 0 : i32
      %add3A_594 = vector.broadcast %add3A_593 : i32 to vector<16xi32>
      %add3A_595 = arith.addi %iota3A, %add3A_594 : vector<16xi32>
      %gather3A_596 = arith.constant 2 : i32
      %gather3A_597 = arith.constant 0 : i32
      %gather3A_598 = arith.constant 0 : i32
      %gather3A_599 = tpu.memref_slice %arg6[%gather3A_596, %gather3A_597, %gather3A_598] : memref<8x64x128xf32, #tpu.memory_space<vmem>> -> memref<1x64x128xf32, #tpu.memory_space<vmem>>
      %gather3A_600 = tpu.memref_squeeze %gather3A_599 : memref<1x64x128xf32, #tpu.memory_space<vmem>> -> memref<64x128xf32, #tpu.memory_space<vmem>>
      %gather3A_601 = tpu.vector_load_idx %gather3A_600[%add3A_595, %broadcast_in_dim3A_592] : memref<64x128xf32, #tpu.memory_space<vmem>>[vector<16xi32>, vector<16xi32>], vector<16xf32>,
      %swap3A_602 = arith.constant 128 : index
      %swap3A_603 = tpu.vector_load %arg7[%swap3A_602] {strides = array<i32>} : memref<512xf32, #tpu.memory_space<vmem>>, vector<16xf32>,
      tpu.vector_store %arg7[%swap3A_602], %gather3A_601 {strides = array<i32>} : memref<512xf32, #tpu.memory_space<vmem>>, vector<16xf32>,
      %add3A_604 = arith.constant 16 : i32
      %add3A_605 = vector.broadcast %add3A_604 : i32 to vector<16xi32>
      %add3A_606 = arith.addi %iota3A, %add3A_605 : vector<16xi32>
      %gather3A_607 = arith.constant 2 : i32
      %gather3A_608 = arith.constant 0 : i32
      %gather3A_609 = arith.constant 0 : i32
      %gather3A_610 = tpu.memref_slice %arg6[%gather3A_607, %gather3A_608, %gather3A_609] : memref<8x64x128xf32, #tpu.memory_space<vmem>> -> memref<1x64x128xf32, #tpu.memory_space<vmem>>
      %gather3A_611 = tpu.memref_squeeze %gather3A_610 : memref<1x64x128xf32, #tpu.memory_space<vmem>> -> memref<64x128xf32, #tpu.memory_space<vmem>>
      %gather3A_612 = tpu.vector_load_idx %gather3A_611[%add3A_606, %broadcast_in_dim3A_592] : memref<64x128xf32, #tpu.memory_space<vmem>>[vector<16xi32>, vector<16xi32>], vector<16xf32>,
      %swap3A_613 = arith.constant 144 : index
      %swap3A_614 = tpu.vector_load %arg7[%swap3A_613] {strides = array<i32>} : memref<512xf32, #tpu.memory_space<vmem>>, vector<16xf32>,
      tpu.vector_store %arg7[%swap3A_613], %gather3A_612 {strides = array<i32>} : memref<512xf32, #tpu.memory_space<vmem>>, vector<16xf32>,
      %add3A_615 = arith.constant 32 : i32
      %add3A_616 = vector.broadcast %add3A_615 : i32 to vector<16xi32>
      %add3A_617 = arith.addi %iota3A, %add3A_616 : vector<16xi32>
      %gather3A_618 = arith.constant 2 : i32
      %gather3A_619 = arith.constant 0 : i32
      %gather3A_620 = arith.constant 0 : i32
      %gather3A_621 = tpu.memref_slice %arg6[%gather3A_618, %gather3A_619, %gather3A_620] : memref<8x64x128xf32, #tpu.memory_space<vmem>> -> memref<1x64x128xf32, #tpu.memory_space<vmem>>
      %gather3A_622 = tpu.memref_squeeze %gather3A_621 : memref<1x64x128xf32, #tpu.memory_space<vmem>> -> memref<64x128xf32, #tpu.memory_space<vmem>>
      %gather3A_623 = tpu.vector_load_idx %gather3A_622[%add3A_617, %broadcast_in_dim3A_592] : memref<64x128xf32, #tpu.memory_space<vmem>>[vector<16xi32>, vector<16xi32>], vector<16xf32>,
      %swap3A_624 = arith.constant 160 : index
      %swap3A_625 = tpu.vector_load %arg7[%swap3A_624] {strides = array<i32>} : memref<512xf32, #tpu.memory_space<vmem>>, vector<16xf32>,
      tpu.vector_store %arg7[%swap3A_624], %gather3A_623 {strides = array<i32>} : memref<512xf32, #tpu.memory_space<vmem>>, vector<16xf32>,
      %add3A_626 = arith.constant 48 : i32
      %add3A_627 = vector.broadcast %add3A_626 : i32 to vector<16xi32>
      %add3A_628 = arith.addi %iota3A, %add3A_627 : vector<16xi32>
      %gather3A_629 = arith.constant 2 : i32
      %gather3A_630 = arith.constant 0 : i32
      %gather3A_631 = arith.constant 0 : i32
      %gather3A_632 = tpu.memref_slice %arg6[%gather3A_629, %gather3A_630, %gather3A_631] : memref<8x64x128xf32, #tpu.memory_space<vmem>> -> memref<1x64x128xf32, #tpu.memory_space<vmem>>
      %gather3A_633 = tpu.memref_squeeze %gather3A_632 : memref<1x64x128xf32, #tpu.memory_space<vmem>> -> memref<64x128xf32, #tpu.memory_space<vmem>>
      %gather3A_634 = tpu.vector_load_idx %gather3A_633[%add3A_628, %broadcast_in_dim3A_592] : memref<64x128xf32, #tpu.memory_space<vmem>>[vector<16xi32>, vector<16xi32>], vector<16xf32>,
      %swap3A_635 = arith.constant 176 : index
      %swap3A_636 = tpu.vector_load %arg7[%swap3A_635] {strides = array<i32>} : memref<512xf32, #tpu.memory_space<vmem>>, vector<16xf32>,
      tpu.vector_store %arg7[%swap3A_635], %gather3A_634 {strides = array<i32>} : memref<512xf32, #tpu.memory_space<vmem>>, vector<16xf32>,
      %broadcast_in_dim3A_637 = vector.broadcast %sub3A_183 : i32 to vector<16xi32>
      %add3A_638 = arith.constant 0 : i32
      %add3A_639 = vector.broadcast %add3A_638 : i32 to vector<16xi32>
      %add3A_640 = arith.addi %iota3A, %add3A_639 : vector<16xi32>
      %gather3A_641 = arith.constant 3 : i32
      %gather3A_642 = arith.constant 0 : i32
      %gather3A_643 = arith.constant 0 : i32
      %gather3A_644 = tpu.memref_slice %arg6[%gather3A_641, %gather3A_642, %gather3A_643] : memref<8x64x128xf32, #tpu.memory_space<vmem>> -> memref<1x64x128xf32, #tpu.memory_space<vmem>>
      %gather3A_645 = tpu.memref_squeeze %gather3A_644 : memref<1x64x128xf32, #tpu.memory_space<vmem>> -> memref<64x128xf32, #tpu.memory_space<vmem>>
      %gather3A_646 = tpu.vector_load_idx %gather3A_645[%add3A_640, %broadcast_in_dim3A_637] : memref<64x128xf32, #tpu.memory_space<vmem>>[vector<16xi32>, vector<16xi32>], vector<16xf32>,
      %swap3A_647 = arith.constant 192 : index
      %swap3A_648 = tpu.vector_load %arg7[%swap3A_647] {strides = array<i32>} : memref<512xf32, #tpu.memory_space<vmem>>, vector<16xf32>,
      tpu.vector_store %arg7[%swap3A_647], %gather3A_646 {strides = array<i32>} : memref<512xf32, #tpu.memory_space<vmem>>, vector<16xf32>,
      %add3A_649 = arith.constant 16 : i32
      %add3A_650 = vector.broadcast %add3A_649 : i32 to vector<16xi32>
      %add3A_651 = arith.addi %iota3A, %add3A_650 : vector<16xi32>
      %gather3A_652 = arith.constant 3 : i32
      %gather3A_653 = arith.constant 0 : i32
      %gather3A_654 = arith.constant 0 : i32
      %gather3A_655 = tpu.memref_slice %arg6[%gather3A_652, %gather3A_653, %gather3A_654] : memref<8x64x128xf32, #tpu.memory_space<vmem>> -> memref<1x64x128xf32, #tpu.memory_space<vmem>>
      %gather3A_656 = tpu.memref_squeeze %gather3A_655 : memref<1x64x128xf32, #tpu.memory_space<vmem>> -> memref<64x128xf32, #tpu.memory_space<vmem>>
      %gather3A_657 = tpu.vector_load_idx %gather3A_656[%add3A_651, %broadcast_in_dim3A_637] : memref<64x128xf32, #tpu.memory_space<vmem>>[vector<16xi32>, vector<16xi32>], vector<16xf32>,
      %swap3A_658 = arith.constant 208 : index
      %swap3A_659 = tpu.vector_load %arg7[%swap3A_658] {strides = array<i32>} : memref<512xf32, #tpu.memory_space<vmem>>, vector<16xf32>,
      tpu.vector_store %arg7[%swap3A_658], %gather3A_657 {strides = array<i32>} : memref<512xf32, #tpu.memory_space<vmem>>, vector<16xf32>,
      %add3A_660 = arith.constant 32 : i32
      %add3A_661 = vector.broadcast %add3A_660 : i32 to vector<16xi32>
      %add3A_662 = arith.addi %iota3A, %add3A_661 : vector<16xi32>
      %gather3A_663 = arith.constant 3 : i32
      %gather3A_664 = arith.constant 0 : i32
      %gather3A_665 = arith.constant 0 : i32
      %gather3A_666 = tpu.memref_slice %arg6[%gather3A_663, %gather3A_664, %gather3A_665] : memref<8x64x128xf32, #tpu.memory_space<vmem>> -> memref<1x64x128xf32, #tpu.memory_space<vmem>>
      %gather3A_667 = tpu.memref_squeeze %gather3A_666 : memref<1x64x128xf32, #tpu.memory_space<vmem>> -> memref<64x128xf32, #tpu.memory_space<vmem>>
      %gather3A_668 = tpu.vector_load_idx %gather3A_667[%add3A_662, %broadcast_in_dim3A_637] : memref<64x128xf32, #tpu.memory_space<vmem>>[vector<16xi32>, vector<16xi32>], vector<16xf32>,
      %swap3A_669 = arith.constant 224 : index
      %swap3A_670 = tpu.vector_load %arg7[%swap3A_669] {strides = array<i32>} : memref<512xf32, #tpu.memory_space<vmem>>, vector<16xf32>,
      tpu.vector_store %arg7[%swap3A_669], %gather3A_668 {strides = array<i32>} : memref<512xf32, #tpu.memory_space<vmem>>, vector<16xf32>,
      %add3A_671 = arith.constant 48 : i32
      %add3A_672 = vector.broadcast %add3A_671 : i32 to vector<16xi32>
      %add3A_673 = arith.addi %iota3A, %add3A_672 : vector<16xi32>
      %gather3A_674 = arith.constant 3 : i32
      %gather3A_675 = arith.constant 0 : i32
      %gather3A_676 = arith.constant 0 : i32
      %gather3A_677 = tpu.memref_slice %arg6[%gather3A_674, %gather3A_675, %gather3A_676] : memref<8x64x128xf32, #tpu.memory_space<vmem>> -> memref<1x64x128xf32, #tpu.memory_space<vmem>>
      %gather3A_678 = tpu.memref_squeeze %gather3A_677 : memref<1x64x128xf32, #tpu.memory_space<vmem>> -> memref<64x128xf32, #tpu.memory_space<vmem>>
      %gather3A_679 = tpu.vector_load_idx %gather3A_678[%add3A_673, %broadcast_in_dim3A_637] : memref<64x128xf32, #tpu.memory_space<vmem>>[vector<16xi32>, vector<16xi32>], vector<16xf32>,
      %swap3A_680 = arith.constant 240 : index
      %swap3A_681 = tpu.vector_load %arg7[%swap3A_680] {strides = array<i32>} : memref<512xf32, #tpu.memory_space<vmem>>, vector<16xf32>,
      tpu.vector_store %arg7[%swap3A_680], %gather3A_679 {strides = array<i32>} : memref<512xf32, #tpu.memory_space<vmem>>, vector<16xf32>,
      %broadcast_in_dim3A_682 = vector.broadcast %sub3A_234 : i32 to vector<16xi32>
      %add3A_683 = arith.constant 0 : i32
      %add3A_684 = vector.broadcast %add3A_683 : i32 to vector<16xi32>
      %add3A_685 = arith.addi %iota3A, %add3A_684 : vector<16xi32>
      %gather3A_686 = arith.constant 4 : i32
      %gather3A_687 = arith.constant 0 : i32
      %gather3A_688 = arith.constant 0 : i32
      %gather3A_689 = tpu.memref_slice %arg6[%gather3A_686, %gather3A_687, %gather3A_688] : memref<8x64x128xf32, #tpu.memory_space<vmem>> -> memref<1x64x128xf32, #tpu.memory_space<vmem>>
      %gather3A_690 = tpu.memref_squeeze %gather3A_689 : memref<1x64x128xf32, #tpu.memory_space<vmem>> -> memref<64x128xf32, #tpu.memory_space<vmem>>
      %gather3A_691 = tpu.vector_load_idx %gather3A_690[%add3A_685, %broadcast_in_dim3A_682] : memref<64x128xf32, #tpu.memory_space<vmem>>[vector<16xi32>, vector<16xi32>], vector<16xf32>,
      %swap3A_692 = arith.constant 256 : index
      %swap3A_693 = tpu.vector_load %arg7[%swap3A_692] {strides = array<i32>} : memref<512xf32, #tpu.memory_space<vmem>>, vector<16xf32>,
      tpu.vector_store %arg7[%swap3A_692], %gather3A_691 {strides = array<i32>} : memref<512xf32, #tpu.memory_space<vmem>>, vector<16xf32>,
      %add3A_694 = arith.constant 16 : i32
      %add3A_695 = vector.broadcast %add3A_694 : i32 to vector<16xi32>
      %add3A_696 = arith.addi %iota3A, %add3A_695 : vector<16xi32>
      %gather3A_697 = arith.constant 4 : i32
      %gather3A_698 = arith.constant 0 : i32
      %gather3A_699 = arith.constant 0 : i32
      %gather3A_700 = tpu.memref_slice %arg6[%gather3A_697, %gather3A_698, %gather3A_699] : memref<8x64x128xf32, #tpu.memory_space<vmem>> -> memref<1x64x128xf32, #tpu.memory_space<vmem>>
      %gather3A_701 = tpu.memref_squeeze %gather3A_700 : memref<1x64x128xf32, #tpu.memory_space<vmem>> -> memref<64x128xf32, #tpu.memory_space<vmem>>
      %gather3A_702 = tpu.vector_load_idx %gather3A_701[%add3A_696, %broadcast_in_dim3A_682] : memref<64x128xf32, #tpu.memory_space<vmem>>[vector<16xi32>, vector<16xi32>], vector<16xf32>,
      %swap3A_703 = arith.constant 272 : index
      %swap3A_704 = tpu.vector_load %arg7[%swap3A_703] {strides = array<i32>} : memref<512xf32, #tpu.memory_space<vmem>>, vector<16xf32>,
      tpu.vector_store %arg7[%swap3A_703], %gather3A_702 {strides = array<i32>} : memref<512xf32, #tpu.memory_space<vmem>>, vector<16xf32>,
      %add3A_705 = arith.constant 32 : i32
      %add3A_706 = vector.broadcast %add3A_705 : i32 to vector<16xi32>
      %add3A_707 = arith.addi %iota3A, %add3A_706 : vector<16xi32>
      %gather3A_708 = arith.constant 4 : i32
      %gather3A_709 = arith.constant 0 : i32
      %gather3A_710 = arith.constant 0 : i32
      %gather3A_711 = tpu.memref_slice %arg6[%gather3A_708, %gather3A_709, %gather3A_710] : memref<8x64x128xf32, #tpu.memory_space<vmem>> -> memref<1x64x128xf32, #tpu.memory_space<vmem>>
      %gather3A_712 = tpu.memref_squeeze %gather3A_711 : memref<1x64x128xf32, #tpu.memory_space<vmem>> -> memref<64x128xf32, #tpu.memory_space<vmem>>
      %gather3A_713 = tpu.vector_load_idx %gather3A_712[%add3A_707, %broadcast_in_dim3A_682] : memref<64x128xf32, #tpu.memory_space<vmem>>[vector<16xi32>, vector<16xi32>], vector<16xf32>,
      %swap3A_714 = arith.constant 288 : index
      %swap3A_715 = tpu.vector_load %arg7[%swap3A_714] {strides = array<i32>} : memref<512xf32, #tpu.memory_space<vmem>>, vector<16xf32>,
      tpu.vector_store %arg7[%swap3A_714], %gather3A_713 {strides = array<i32>} : memref<512xf32, #tpu.memory_space<vmem>>, vector<16xf32>,
      %add3A_716 = arith.constant 48 : i32
      %add3A_717 = vector.broadcast %add3A_716 : i32 to vector<16xi32>
      %add3A_718 = arith.addi %iota3A, %add3A_717 : vector<16xi32>
      %gather3A_719 = arith.constant 4 : i32
      %gather3A_720 = arith.constant 0 : i32
      %gather3A_721 = arith.constant 0 : i32
      %gather3A_722 = tpu.memref_slice %arg6[%gather3A_719, %gather3A_720, %gather3A_721] : memref<8x64x128xf32, #tpu.memory_space<vmem>> -> memref<1x64x128xf32, #tpu.memory_space<vmem>>
      %gather3A_723 = tpu.memref_squeeze %gather3A_722 : memref<1x64x128xf32, #tpu.memory_space<vmem>> -> memref<64x128xf32, #tpu.memory_space<vmem>>
      %gather3A_724 = tpu.vector_load_idx %gather3A_723[%add3A_718, %broadcast_in_dim3A_682] : memref<64x128xf32, #tpu.memory_space<vmem>>[vector<16xi32>, vector<16xi32>], vector<16xf32>,
      %swap3A_725 = arith.constant 304 : index
      %swap3A_726 = tpu.vector_load %arg7[%swap3A_725] {strides = array<i32>} : memref<512xf32, #tpu.memory_space<vmem>>, vector<16xf32>,
      tpu.vector_store %arg7[%swap3A_725], %gather3A_724 {strides = array<i32>} : memref<512xf32, #tpu.memory_space<vmem>>, vector<16xf32>,
      %broadcast_in_dim3A_727 = vector.broadcast %sub3A_285 : i32 to vector<16xi32>
      %add3A_728 = arith.constant 0 : i32
      %add3A_729 = vector.broadcast %add3A_728 : i32 to vector<16xi32>
      %add3A_730 = arith.addi %iota3A, %add3A_729 : vector<16xi32>
      %gather3A_731 = arith.constant 5 : i32
      %gather3A_732 = arith.constant 0 : i32
      %gather3A_733 = arith.constant 0 : i32
      %gather3A_734 = tpu.memref_slice %arg6[%gather3A_731, %gather3A_732, %gather3A_733] : memref<8x64x128xf32, #tpu.memory_space<vmem>> -> memref<1x64x128xf32, #tpu.memory_space<vmem>>
      %gather3A_735 = tpu.memref_squeeze %gather3A_734 : memref<1x64x128xf32, #tpu.memory_space<vmem>> -> memref<64x128xf32, #tpu.memory_space<vmem>>
      %gather3A_736 = tpu.vector_load_idx %gather3A_735[%add3A_730, %broadcast_in_dim3A_727] : memref<64x128xf32, #tpu.memory_space<vmem>>[vector<16xi32>, vector<16xi32>], vector<16xf32>,
      %swap3A_737 = arith.constant 320 : index
      %swap3A_738 = tpu.vector_load %arg7[%swap3A_737] {strides = array<i32>} : memref<512xf32, #tpu.memory_space<vmem>>, vector<16xf32>,
      tpu.vector_store %arg7[%swap3A_737], %gather3A_736 {strides = array<i32>} : memref<512xf32, #tpu.memory_space<vmem>>, vector<16xf32>,
      %add3A_739 = arith.constant 16 : i32
      %add3A_740 = vector.broadcast %add3A_739 : i32 to vector<16xi32>
      %add3A_741 = arith.addi %iota3A, %add3A_740 : vector<16xi32>
      %gather3A_742 = arith.constant 5 : i32
      %gather3A_743 = arith.constant 0 : i32
      %gather3A_744 = arith.constant 0 : i32
      %gather3A_745 = tpu.memref_slice %arg6[%gather3A_742, %gather3A_743, %gather3A_744] : memref<8x64x128xf32, #tpu.memory_space<vmem>> -> memref<1x64x128xf32, #tpu.memory_space<vmem>>
      %gather3A_746 = tpu.memref_squeeze %gather3A_745 : memref<1x64x128xf32, #tpu.memory_space<vmem>> -> memref<64x128xf32, #tpu.memory_space<vmem>>
      %gather3A_747 = tpu.vector_load_idx %gather3A_746[%add3A_741, %broadcast_in_dim3A_727] : memref<64x128xf32, #tpu.memory_space<vmem>>[vector<16xi32>, vector<16xi32>], vector<16xf32>,
      %swap3A_748 = arith.constant 336 : index
      %swap3A_749 = tpu.vector_load %arg7[%swap3A_748] {strides = array<i32>} : memref<512xf32, #tpu.memory_space<vmem>>, vector<16xf32>,
      tpu.vector_store %arg7[%swap3A_748], %gather3A_747 {strides = array<i32>} : memref<512xf32, #tpu.memory_space<vmem>>, vector<16xf32>,
      %add3A_750 = arith.constant 32 : i32
      %add3A_751 = vector.broadcast %add3A_750 : i32 to vector<16xi32>
      %add3A_752 = arith.addi %iota3A, %add3A_751 : vector<16xi32>
      %gather3A_753 = arith.constant 5 : i32
      %gather3A_754 = arith.constant 0 : i32
      %gather3A_755 = arith.constant 0 : i32
      %gather3A_756 = tpu.memref_slice %arg6[%gather3A_753, %gather3A_754, %gather3A_755] : memref<8x64x128xf32, #tpu.memory_space<vmem>> -> memref<1x64x128xf32, #tpu.memory_space<vmem>>
      %gather3A_757 = tpu.memref_squeeze %gather3A_756 : memref<1x64x128xf32, #tpu.memory_space<vmem>> -> memref<64x128xf32, #tpu.memory_space<vmem>>
      %gather3A_758 = tpu.vector_load_idx %gather3A_757[%add3A_752, %broadcast_in_dim3A_727] : memref<64x128xf32, #tpu.memory_space<vmem>>[vector<16xi32>, vector<16xi32>], vector<16xf32>,
      %swap3A_759 = arith.constant 352 : index
      %swap3A_760 = tpu.vector_load %arg7[%swap3A_759] {strides = array<i32>} : memref<512xf32, #tpu.memory_space<vmem>>, vector<16xf32>,
      tpu.vector_store %arg7[%swap3A_759], %gather3A_758 {strides = array<i32>} : memref<512xf32, #tpu.memory_space<vmem>>, vector<16xf32>,
      %add3A_761 = arith.constant 48 : i32
      %add3A_762 = vector.broadcast %add3A_761 : i32 to vector<16xi32>
      %add3A_763 = arith.addi %iota3A, %add3A_762 : vector<16xi32>
      %gather3A_764 = arith.constant 5 : i32
      %gather3A_765 = arith.constant 0 : i32
      %gather3A_766 = arith.constant 0 : i32
      %gather3A_767 = tpu.memref_slice %arg6[%gather3A_764, %gather3A_765, %gather3A_766] : memref<8x64x128xf32, #tpu.memory_space<vmem>> -> memref<1x64x128xf32, #tpu.memory_space<vmem>>
      %gather3A_768 = tpu.memref_squeeze %gather3A_767 : memref<1x64x128xf32, #tpu.memory_space<vmem>> -> memref<64x128xf32, #tpu.memory_space<vmem>>
      %gather3A_769 = tpu.vector_load_idx %gather3A_768[%add3A_763, %broadcast_in_dim3A_727] : memref<64x128xf32, #tpu.memory_space<vmem>>[vector<16xi32>, vector<16xi32>], vector<16xf32>,
      %swap3A_770 = arith.constant 368 : index
      %swap3A_771 = tpu.vector_load %arg7[%swap3A_770] {strides = array<i32>} : memref<512xf32, #tpu.memory_space<vmem>>, vector<16xf32>,
      tpu.vector_store %arg7[%swap3A_770], %gather3A_769 {strides = array<i32>} : memref<512xf32, #tpu.memory_space<vmem>>, vector<16xf32>,
      %broadcast_in_dim3A_772 = vector.broadcast %sub3A_336 : i32 to vector<16xi32>
      %add3A_773 = arith.constant 0 : i32
      %add3A_774 = vector.broadcast %add3A_773 : i32 to vector<16xi32>
      %add3A_775 = arith.addi %iota3A, %add3A_774 : vector<16xi32>
      %gather3A_776 = arith.constant 6 : i32
      %gather3A_777 = arith.constant 0 : i32
      %gather3A_778 = arith.constant 0 : i32
      %gather3A_779 = tpu.memref_slice %arg6[%gather3A_776, %gather3A_777, %gather3A_778] : memref<8x64x128xf32, #tpu.memory_space<vmem>> -> memref<1x64x128xf32, #tpu.memory_space<vmem>>
      %gather3A_780 = tpu.memref_squeeze %gather3A_779 : memref<1x64x128xf32, #tpu.memory_space<vmem>> -> memref<64x128xf32, #tpu.memory_space<vmem>>
      %gather3A_781 = tpu.vector_load_idx %gather3A_780[%add3A_775, %broadcast_in_dim3A_772] : memref<64x128xf32, #tpu.memory_space<vmem>>[vector<16xi32>, vector<16xi32>], vector<16xf32>,
      %swap3A_782 = arith.constant 384 : index
      %swap3A_783 = tpu.vector_load %arg7[%swap3A_782] {strides = array<i32>} : memref<512xf32, #tpu.memory_space<vmem>>, vector<16xf32>,
      tpu.vector_store %arg7[%swap3A_782], %gather3A_781 {strides = array<i32>} : memref<512xf32, #tpu.memory_space<vmem>>, vector<16xf32>,
      %add3A_784 = arith.constant 16 : i32
      %add3A_785 = vector.broadcast %add3A_784 : i32 to vector<16xi32>
      %add3A_786 = arith.addi %iota3A, %add3A_785 : vector<16xi32>
      %gather3A_787 = arith.constant 6 : i32
      %gather3A_788 = arith.constant 0 : i32
      %gather3A_789 = arith.constant 0 : i32
      %gather3A_790 = tpu.memref_slice %arg6[%gather3A_787, %gather3A_788, %gather3A_789] : memref<8x64x128xf32, #tpu.memory_space<vmem>> -> memref<1x64x128xf32, #tpu.memory_space<vmem>>
      %gather3A_791 = tpu.memref_squeeze %gather3A_790 : memref<1x64x128xf32, #tpu.memory_space<vmem>> -> memref<64x128xf32, #tpu.memory_space<vmem>>
      %gather3A_792 = tpu.vector_load_idx %gather3A_791[%add3A_786, %broadcast_in_dim3A_772] : memref<64x128xf32, #tpu.memory_space<vmem>>[vector<16xi32>, vector<16xi32>], vector<16xf32>,
      %swap3A_793 = arith.constant 400 : index
      %swap3A_794 = tpu.vector_load %arg7[%swap3A_793] {strides = array<i32>} : memref<512xf32, #tpu.memory_space<vmem>>, vector<16xf32>,
      tpu.vector_store %arg7[%swap3A_793], %gather3A_792 {strides = array<i32>} : memref<512xf32, #tpu.memory_space<vmem>>, vector<16xf32>,
      %add3A_795 = arith.constant 32 : i32
      %add3A_796 = vector.broadcast %add3A_795 : i32 to vector<16xi32>
      %add3A_797 = arith.addi %iota3A, %add3A_796 : vector<16xi32>
      %gather3A_798 = arith.constant 6 : i32
      %gather3A_799 = arith.constant 0 : i32
      %gather3A_800 = arith.constant 0 : i32
      %gather3A_801 = tpu.memref_slice %arg6[%gather3A_798, %gather3A_799, %gather3A_800] : memref<8x64x128xf32, #tpu.memory_space<vmem>> -> memref<1x64x128xf32, #tpu.memory_space<vmem>>
      %gather3A_802 = tpu.memref_squeeze %gather3A_801 : memref<1x64x128xf32, #tpu.memory_space<vmem>> -> memref<64x128xf32, #tpu.memory_space<vmem>>
      %gather3A_803 = tpu.vector_load_idx %gather3A_802[%add3A_797, %broadcast_in_dim3A_772] : memref<64x128xf32, #tpu.memory_space<vmem>>[vector<16xi32>, vector<16xi32>], vector<16xf32>,
      %swap3A_804 = arith.constant 416 : index
      %swap3A_805 = tpu.vector_load %arg7[%swap3A_804] {strides = array<i32>} : memref<512xf32, #tpu.memory_space<vmem>>, vector<16xf32>,
      tpu.vector_store %arg7[%swap3A_804], %gather3A_803 {strides = array<i32>} : memref<512xf32, #tpu.memory_space<vmem>>, vector<16xf32>,
      %add3A_806 = arith.constant 48 : i32
      %add3A_807 = vector.broadcast %add3A_806 : i32 to vector<16xi32>
      %add3A_808 = arith.addi %iota3A, %add3A_807 : vector<16xi32>
      %gather3A_809 = arith.constant 6 : i32
      %gather3A_810 = arith.constant 0 : i32
      %gather3A_811 = arith.constant 0 : i32
      %gather3A_812 = tpu.memref_slice %arg6[%gather3A_809, %gather3A_810, %gather3A_811] : memref<8x64x128xf32, #tpu.memory_space<vmem>> -> memref<1x64x128xf32, #tpu.memory_space<vmem>>
      %gather3A_813 = tpu.memref_squeeze %gather3A_812 : memref<1x64x128xf32, #tpu.memory_space<vmem>> -> memref<64x128xf32, #tpu.memory_space<vmem>>
      %gather3A_814 = tpu.vector_load_idx %gather3A_813[%add3A_808, %broadcast_in_dim3A_772] : memref<64x128xf32, #tpu.memory_space<vmem>>[vector<16xi32>, vector<16xi32>], vector<16xf32>,
      %swap3A_815 = arith.constant 432 : index
      %swap3A_816 = tpu.vector_load %arg7[%swap3A_815] {strides = array<i32>} : memref<512xf32, #tpu.memory_space<vmem>>, vector<16xf32>,
      tpu.vector_store %arg7[%swap3A_815], %gather3A_814 {strides = array<i32>} : memref<512xf32, #tpu.memory_space<vmem>>, vector<16xf32>,
      %broadcast_in_dim3A_817 = vector.broadcast %sub3A_387 : i32 to vector<16xi32>
      %add3A_818 = arith.constant 0 : i32
      %add3A_819 = vector.broadcast %add3A_818 : i32 to vector<16xi32>
      %add3A_820 = arith.addi %iota3A, %add3A_819 : vector<16xi32>
      %gather3A_821 = arith.constant 7 : i32
      %gather3A_822 = arith.constant 0 : i32
      %gather3A_823 = arith.constant 0 : i32
      %gather3A_824 = tpu.memref_slice %arg6[%gather3A_821, %gather3A_822, %gather3A_823] : memref<8x64x128xf32, #tpu.memory_space<vmem>> -> memref<1x64x128xf32, #tpu.memory_space<vmem>>
      %gather3A_825 = tpu.memref_squeeze %gather3A_824 : memref<1x64x128xf32, #tpu.memory_space<vmem>> -> memref<64x128xf32, #tpu.memory_space<vmem>>
      %gather3A_826 = tpu.vector_load_idx %gather3A_825[%add3A_820, %broadcast_in_dim3A_817] : memref<64x128xf32, #tpu.memory_space<vmem>>[vector<16xi32>, vector<16xi32>], vector<16xf32>,
      %swap3A_827 = arith.constant 448 : index
      %swap3A_828 = tpu.vector_load %arg7[%swap3A_827] {strides = array<i32>} : memref<512xf32, #tpu.memory_space<vmem>>, vector<16xf32>,
      tpu.vector_store %arg7[%swap3A_827], %gather3A_826 {strides = array<i32>} : memref<512xf32, #tpu.memory_space<vmem>>, vector<16xf32>,
      %add3A_829 = arith.constant 16 : i32
      %add3A_830 = vector.broadcast %add3A_829 : i32 to vector<16xi32>
      %add3A_831 = arith.addi %iota3A, %add3A_830 : vector<16xi32>
      %gather3A_832 = arith.constant 7 : i32
      %gather3A_833 = arith.constant 0 : i32
      %gather3A_834 = arith.constant 0 : i32
      %gather3A_835 = tpu.memref_slice %arg6[%gather3A_832, %gather3A_833, %gather3A_834] : memref<8x64x128xf32, #tpu.memory_space<vmem>> -> memref<1x64x128xf32, #tpu.memory_space<vmem>>
      %gather3A_836 = tpu.memref_squeeze %gather3A_835 : memref<1x64x128xf32, #tpu.memory_space<vmem>> -> memref<64x128xf32, #tpu.memory_space<vmem>>
      %gather3A_837 = tpu.vector_load_idx %gather3A_836[%add3A_831, %broadcast_in_dim3A_817] : memref<64x128xf32, #tpu.memory_space<vmem>>[vector<16xi32>, vector<16xi32>], vector<16xf32>,
      %swap3A_838 = arith.constant 464 : index
      %swap3A_839 = tpu.vector_load %arg7[%swap3A_838] {strides = array<i32>} : memref<512xf32, #tpu.memory_space<vmem>>, vector<16xf32>,
      tpu.vector_store %arg7[%swap3A_838], %gather3A_837 {strides = array<i32>} : memref<512xf32, #tpu.memory_space<vmem>>, vector<16xf32>,
      %add3A_840 = arith.constant 32 : i32
      %add3A_841 = vector.broadcast %add3A_840 : i32 to vector<16xi32>
      %add3A_842 = arith.addi %iota3A, %add3A_841 : vector<16xi32>
      %gather3A_843 = arith.constant 7 : i32
      %gather3A_844 = arith.constant 0 : i32
      %gather3A_845 = arith.constant 0 : i32
      %gather3A_846 = tpu.memref_slice %arg6[%gather3A_843, %gather3A_844, %gather3A_845] : memref<8x64x128xf32, #tpu.memory_space<vmem>> -> memref<1x64x128xf32, #tpu.memory_space<vmem>>
      %gather3A_847 = tpu.memref_squeeze %gather3A_846 : memref<1x64x128xf32, #tpu.memory_space<vmem>> -> memref<64x128xf32, #tpu.memory_space<vmem>>
      %gather3A_848 = tpu.vector_load_idx %gather3A_847[%add3A_842, %broadcast_in_dim3A_817] : memref<64x128xf32, #tpu.memory_space<vmem>>[vector<16xi32>, vector<16xi32>], vector<16xf32>,
      %swap3A_849 = arith.constant 480 : index
      %swap3A_850 = tpu.vector_load %arg7[%swap3A_849] {strides = array<i32>} : memref<512xf32, #tpu.memory_space<vmem>>, vector<16xf32>,
      tpu.vector_store %arg7[%swap3A_849], %gather3A_848 {strides = array<i32>} : memref<512xf32, #tpu.memory_space<vmem>>, vector<16xf32>,
      %add3A_851 = arith.constant 48 : i32
      %add3A_852 = vector.broadcast %add3A_851 : i32 to vector<16xi32>
      %add3A_853 = arith.addi %iota3A, %add3A_852 : vector<16xi32>
      %gather3A_854 = arith.constant 7 : i32
      %gather3A_855 = arith.constant 0 : i32
      %gather3A_856 = arith.constant 0 : i32
      %gather3A_857 = tpu.memref_slice %arg6[%gather3A_854, %gather3A_855, %gather3A_856] : memref<8x64x128xf32, #tpu.memory_space<vmem>> -> memref<1x64x128xf32, #tpu.memory_space<vmem>>
      %gather3A_858 = tpu.memref_squeeze %gather3A_857 : memref<1x64x128xf32, #tpu.memory_space<vmem>> -> memref<64x128xf32, #tpu.memory_space<vmem>>
      %gather3A_859 = tpu.vector_load_idx %gather3A_858[%add3A_853, %broadcast_in_dim3A_817] : memref<64x128xf32, #tpu.memory_space<vmem>>[vector<16xi32>, vector<16xi32>], vector<16xf32>,
      %swap3A_860 = arith.constant 496 : index
      %swap3A_861 = tpu.vector_load %arg7[%swap3A_860] {strides = array<i32>} : memref<512xf32, #tpu.memory_space<vmem>>, vector<16xf32>,
      tpu.vector_store %arg7[%swap3A_860], %gather3A_859 {strides = array<i32>} : memref<512xf32, #tpu.memory_space<vmem>>, vector<16xf32>,
      %mul3A_862 = arith.constant 64 : i32
      %mul3A_863 = arith.muli %mul3A_4, %mul3A_862 : i32
      "tpu.region"() ({
        %run_scoped3A = tpu.sem_alloc : memref<!tpu.dma_semaphore, #tpu.memory_space<semaphore_mem>>
        %dma_start3A_864 = tpu.memref_slice %arg4[%mul3A_863] : memref<12800xf32, #tpu.memory_space<hbm>> -> memref<512xf32, #tpu.memory_space<hbm>>
        %dma_start3A_865 = tpu.memref_slice %arg4[%mul3A_863] : memref<12800xf32, #tpu.memory_space<hbm>> -> memref<512xf32, #tpu.memory_space<hbm>>
        tpu.enqueue_dma source(%arg7 : memref<512xf32, #tpu.memory_space<vmem>>) target(%dma_start3A_865 : memref<512xf32, #tpu.memory_space<hbm>>) target_semaphore(%run_scoped3A : memref<!tpu.dma_semaphore, #tpu.memory_space<semaphore_mem>>)
        %dma_wait3A_866 = tpu.memref_slice %arg4[%mul3A_863] : memref<12800xf32, #tpu.memory_space<hbm>> -> memref<512xf32, #tpu.memory_space<hbm>>
        %dma_wait3A_867 = tpu.memref_slice %arg4[%mul3A_863] : memref<12800xf32, #tpu.memory_space<hbm>> -> memref<512xf32, #tpu.memory_space<hbm>>
        tpu.wait_dma2 semaphore(%run_scoped3A : memref<!tpu.dma_semaphore, #tpu.memory_space<semaphore_mem>>) src(%arg7 : memref<512xf32, #tpu.memory_space<vmem>>) dst(%dma_wait3A_867 : memref<512xf32, #tpu.memory_space<hbm>>)
        tpu.yield
      }) : () -> ()
    } else {
    }
    return
  }
}

module attributes {stable_mosaic.version = 14 : i64} {
  func.func @_tc_mlp(%arg0: i32, %arg1: memref<12800xf32, #tpu.memory_space<vmem>>, %arg2: memref<128x12800xf32, #tpu.memory_space<vmem>>, %arg3: memref<1x128xf32, #tpu.memory_space<vmem>>, %arg4: memref<25600x128xf32, #tpu.memory_space<vmem>>, %arg5: memref<25600xf32, #tpu.memory_space<vmem>>, %arg6: memref<1x100000xf32, #tpu.memory_space<vmem>>, %arg7: memref<1x128xf32, #tpu.memory_space<vmem>>, %arg8: memref<1x102400xf32, #tpu.memory_space<vmem>>, %arg9: memref<1xf32, #tpu.memory_space<smem>>) attributes {dimension_semantics = [#tpu.dimension_semantics<arbitrary>], iteration_bounds = array<i64: 4>, scalar_prefetch = 0 : i64, scratch_operands = 3 : i64, tpu.core_type = #tpu.core_type<tc>, window_params = [{pipeline_mode = #tpu.pipeline_mode<synchronous>, transform_indices = @transform_0, window_bounds = array<i64: 12800>}, {pipeline_mode = #tpu.pipeline_mode<synchronous>, transform_indices = @transform_1, window_bounds = array<i64: 128, 12800>}, {pipeline_mode = #tpu.pipeline_mode<synchronous>, transform_indices = @transform_2, window_bounds = array<i64: 1, 128>}, {transform_indices = @transform_3, window_bounds = array<i64: 25600, 128>}, {transform_indices = @transform_4, window_bounds = array<i64: 25600>}, {pipeline_mode = #tpu.pipeline_mode<synchronous>, transform_indices = @transform_5, window_bounds = array<i64: 1, 100000>}]} {
    %eq3A = arith.constant 0 : i32
    %eq3A_0 = arith.cmpi eq, %arg0, %eq3A : i32
    %convert_element_type3A = arith.extui %eq3A_0 : i1 to i32
    %cond3A = arith.constant 0 : i32
    %cond3A_1 = arith.cmpi ne, %convert_element_type3A, %cond3A : i32
    scf.if %cond3A_1 {
      %get3A_19 = arith.constant 0 : index
      %get3A_20 = vector.load %arg1[%get3A_19] : memref<12800xf32, #tpu.memory_space<vmem>>, vector<12800xf32>
      %reshape3A_21 = vector.shape_cast %get3A_20 : vector<12800xf32> to vector<1x12800xf32>
      %get3A_22 = arith.constant 0 : index
      %get3A_23 = arith.constant 0 : index
      %get3A_24 = vector.load %arg2[%get3A_22, %get3A_23] : memref<128x12800xf32, #tpu.memory_space<vmem>>, vector<128x12800xf32>
      %dot_general3A_25 = arith.constant dense<0.000000e+00> : vector<1x128xf32>
      %dot_general3A_26 = tpu.matmul %reshape3A_21, %get3A_24, %dot_general3A_25 {dimension_numbers = #tpu.dot_dimension_numbers<[1], [1], [0], [0], [0, 0, 1, 0], [], []>, transpose_lhs_hint = false} : vector<1x12800xf32>, vector<128x12800xf32>, vector<1x128xf32> -> vector<1x128xf32>
      %get3A_27 = arith.constant 0 : index
      %get3A_28 = arith.constant 0 : index
      %get3A_29 = vector.load %arg3[%get3A_27, %get3A_28] : memref<1x128xf32, #tpu.memory_space<vmem>>, vector<1x128xf32>
      %add3A_30 = arith.addf %dot_general3A_26, %get3A_29 : vector<1x128xf32>
      %max3A = arith.constant 0.000000e+00 : f32
      %max3A_31 = vector.broadcast %max3A : f32 to vector<1x128xf32>
      %max3A_32 = arith.maximumf %add3A_30, %max3A_31 : vector<1x128xf32>
      %swap3A = arith.constant 0 : index
      %swap3A_33 = arith.constant 0 : index
      %swap3A_34 = vector.load %arg7[%swap3A, %swap3A_33] : memref<1x128xf32, #tpu.memory_space<vmem>>, vector<1x128xf32>
      tpu.vector_store %arg7[%swap3A, %swap3A_33], %max3A_32 {strides = array<i32>} : memref<1x128xf32, #tpu.memory_space<vmem>>, vector<1x128xf32>,
      %swap3A_35 = arith.constant 0xFF800000 : f32
      %swap3A_36 = arith.constant 0 : index
      %swap3A_37 = memref.load %arg9[%swap3A_36] : memref<1xf32, #tpu.memory_space<smem>>
      memref.store %swap3A_35, %arg9[%swap3A_36] : memref<1xf32, #tpu.memory_space<smem>>
    } else {
    }
    %get3A = arith.constant 0 : index
    %get3A_2 = arith.constant 0 : index
    %get3A_3 = vector.load %arg7[%get3A, %get3A_2] : memref<1x128xf32, #tpu.memory_space<vmem>>, vector<1x128xf32>
    %get3A_4 = arith.constant 0 : index
    %get3A_5 = arith.constant 0 : index
    %get3A_6 = vector.load %arg4[%get3A_4, %get3A_5] : memref<25600x128xf32, #tpu.memory_space<vmem>>, vector<25600x128xf32>
    %dot_general3A = arith.constant dense<0.000000e+00> : vector<1x25600xf32>
    %dot_general3A_7 = tpu.matmul %get3A_3, %get3A_6, %dot_general3A {dimension_numbers = #tpu.dot_dimension_numbers<[1], [1], [0], [0], [0, 0, 1, 0], [], []>, transpose_lhs_hint = false} : vector<1x128xf32>, vector<25600x128xf32>, vector<1x25600xf32> -> vector<1x25600xf32>
    %get3A_8 = arith.constant 0 : index
    %get3A_9 = vector.load %arg5[%get3A_8] : memref<25600xf32, #tpu.memory_space<vmem>>, vector<25600xf32>
    %reshape3A = vector.shape_cast %get3A_9 : vector<25600xf32> to vector<1x25600xf32>
    %add3A = arith.addf %dot_general3A_7, %reshape3A : vector<1x25600xf32>
    %eq3A_10 = arith.constant 3 : i32
    %eq3A_11 = arith.cmpi eq, %arg0, %eq3A_10 : i32
    %not3A = arith.constant true
    %not3A_12 = arith.xori %eq3A_11, %not3A : i1
    %convert_element_type3A_13 = arith.extui %not3A_12 : i1 to i32
    %cond3A_14 = arith.constant 0 : i32
    %cond3A_15 = arith.cmpi ne, %convert_element_type3A_13, %cond3A_14 : i32
    scf.if %cond3A_15 {
      %get3A_19 = arith.constant 0 : index
      %get3A_20 = memref.load %arg9[%get3A_19] : memref<1xf32, #tpu.memory_space<smem>>
      %mul3A = arith.constant 1 : i32
      %mul3A_21 = arith.muli %arg0, %mul3A : i32
      %add3A_22 = arith.constant 0 : i32
      %add3A_23 = arith.addi %mul3A_21, %add3A_22 : i32
      %mul3A_24 = arith.constant 25600 : i32
      %mul3A_25 = arith.muli %add3A_23, %mul3A_24 : i32
      %swap3A = arith.constant 0 : index
      %swap3A_26 = arith.index_cast %mul3A_25 : i32 to index
      %swap3A_27 = vector.load %arg8[%swap3A, %swap3A_26] : memref<1x102400xf32, #tpu.memory_space<vmem>>, vector<1x25600xf32>
      tpu.vector_store %arg8[%swap3A, %swap3A_26], %add3A {strides = array<i32>} : memref<1x102400xf32, #tpu.memory_space<vmem>>, vector<1x25600xf32>,
      %reduce_max3A = vector.shape_cast %add3A : vector<1x25600xf32> to vector<1x1x25600xf32>
      %reduce_max3A_28 = arith.constant dense<0xFF800000> : vector<1xf32>
      %reduce_max3A_29 = vector.multi_reduction <maximumf>, %reduce_max3A, %reduce_max3A_28 [1, 2] : vector<1x1x25600xf32> to vector<1xf32>
      %reduce_max3A_30 = vector.shape_cast %reduce_max3A_29 : vector<1xf32> to vector<1x1x1xf32>
      %reduce_max3A_31 = vector.extract %reduce_max3A_30[0, 0, 0] : f32 from vector<1x1x1xf32>
      %max3A = arith.maximumf %get3A_20, %reduce_max3A_31 : f32
      %swap3A_32 = arith.constant 0 : index
      %swap3A_33 = memref.load %arg9[%swap3A_32] : memref<1xf32, #tpu.memory_space<smem>>
      memref.store %max3A, %arg9[%swap3A_32] : memref<1xf32, #tpu.memory_space<smem>>
    } else {
    }
    %convert_element_type3A_16 = arith.extui %eq3A_11 : i1 to i32
    %cond3A_17 = arith.constant 0 : i32
    %cond3A_18 = arith.cmpi ne, %convert_element_type3A_16, %cond3A_17 : i32
    scf.if %cond3A_18 {
      %get3A_19 = arith.constant 0 : index
      %get3A_20 = memref.load %arg9[%get3A_19] : memref<1xf32, #tpu.memory_space<smem>>
      %mul3A = arith.constant 1 : i32
      %mul3A_21 = arith.muli %arg0, %mul3A : i32
      %add3A_22 = arith.constant 0 : i32
      %add3A_23 = arith.addi %mul3A_21, %add3A_22 : i32
      %mul3A_24 = arith.constant 25600 : i32
      %mul3A_25 = arith.muli %add3A_23, %mul3A_24 : i32
      %iota3A = tpu.iota {dimensions = array<i32: 1>} : vector<1x25600xi32>
      %add3A_26 = vector.broadcast %mul3A_25 : i32 to vector<1x25600xi32>
      %add3A_27 = arith.addi %add3A_26, %iota3A : vector<1x25600xi32>
      %lt3A = arith.constant 100000 : i32
      %lt3A_28 = vector.broadcast %lt3A : i32 to vector<1x25600xi32>
      %lt3A_29 = arith.cmpi slt, %add3A_27, %lt3A_28 : vector<1x25600xi32>
      %jit3A = arith.constant 0xFF800000 : f32
      %broadcast_in_dim3A = vector.broadcast %jit3A : f32 to vector<1x25600xf32>
      %select_n3A = arith.select %lt3A_29, %add3A, %broadcast_in_dim3A : vector<1x25600xi1>, vector<1x25600xf32>
      %mul3A_30 = arith.constant 1 : i32
      %mul3A_31 = arith.muli %arg0, %mul3A_30 : i32
      %add3A_32 = arith.constant 0 : i32
      %add3A_33 = arith.addi %mul3A_31, %add3A_32 : i32
      %mul3A_34 = arith.constant 25600 : i32
      %mul3A_35 = arith.muli %add3A_33, %mul3A_34 : i32
      %swap3A = arith.constant 0 : index
      %swap3A_36 = arith.index_cast %mul3A_35 : i32 to index
      %swap3A_37 = vector.load %arg8[%swap3A, %swap3A_36] : memref<1x102400xf32, #tpu.memory_space<vmem>>, vector<1x25600xf32>
      tpu.vector_store %arg8[%swap3A, %swap3A_36], %select_n3A {strides = array<i32>} : memref<1x102400xf32, #tpu.memory_space<vmem>>, vector<1x25600xf32>,
      %reduce_max3A = vector.shape_cast %select_n3A : vector<1x25600xf32> to vector<1x1x25600xf32>
      %reduce_max3A_38 = arith.constant dense<0xFF800000> : vector<1xf32>
      %reduce_max3A_39 = vector.multi_reduction <maximumf>, %reduce_max3A, %reduce_max3A_38 [1, 2] : vector<1x1x25600xf32> to vector<1xf32>
      %reduce_max3A_40 = vector.shape_cast %reduce_max3A_39 : vector<1xf32> to vector<1x1x1xf32>
      %reduce_max3A_41 = vector.extract %reduce_max3A_40[0, 0, 0] : f32 from vector<1x1x1xf32>
      %max3A = arith.maximumf %get3A_20, %reduce_max3A_41 : f32
      %scan3A = arith.constant 0.000000e+00 : f32
      %scan3A_42 = arith.constant 0 : i32
      %scan3A_43 = arith.constant 4 : i32
      %scan3A_44 = arith.addi %scan3A_42, %scan3A_43 : i32
      %scan3A_45 = arith.constant 1 : i32
      %scan3A_46 = scf.for %scan3A_61 = %scan3A_42 to %scan3A_44 step %scan3A_45 iter_args(%scan3A_62 = %scan3A) -> (f32)  : i32 {
        %mul3A_63 = arith.constant 25600 : i32
        %mul3A_64 = arith.muli %scan3A_61, %mul3A_63 : i32
        %get3A_65 = arith.constant 0 : index
        %get3A_66 = arith.index_cast %mul3A_64 : i32 to index
        %get3A_67 = vector.load %arg8[%get3A_65, %get3A_66] : memref<1x102400xf32, #tpu.memory_space<vmem>>, vector<1x25600xf32>
        %sub3A_68 = vector.broadcast %max3A : f32 to vector<1x25600xf32>
        %sub3A_69 = arith.subf %get3A_67, %sub3A_68 : vector<1x25600xf32>
        %exp3A = math.exp %sub3A_69 : vector<1x25600xf32>
        %reduce_sum3A = vector.shape_cast %exp3A : vector<1x25600xf32> to vector<1x1x25600xf32>
        %reduce_sum3A_70 = arith.constant dense<0.000000e+00> : vector<1xf32>
        %reduce_sum3A_71 = vector.multi_reduction <add>, %reduce_sum3A, %reduce_sum3A_70 [1, 2] : vector<1x1x25600xf32> to vector<1xf32>
        %reduce_sum3A_72 = vector.shape_cast %reduce_sum3A_71 : vector<1xf32> to vector<1x1x1xf32>
        %reduce_sum3A_73 = vector.extract %reduce_sum3A_72[0, 0, 0] : f32 from vector<1x1x1xf32>
        %add3A_74 = arith.addf %scan3A_62, %reduce_sum3A_73 : f32
        scf.yield %add3A_74 : f32
      }
      %scan3A_47 = arith.constant 4 : i32
      %log3A = math.log %scan3A_46 : f32
      %add3A_48 = arith.addf %max3A, %log3A : f32
      %scan3A_49 = arith.constant 0 : i32
      %scan3A_50 = arith.constant 3 : i32
      %scan3A_51 = arith.addi %scan3A_49, %scan3A_50 : i32
      %scan3A_52 = arith.constant 1 : i32
      scf.for %scan3A_61 = %scan3A_49 to %scan3A_51 step %scan3A_52  : i32 {
        %mul3A_62 = arith.constant 25600 : i32
        %mul3A_63 = arith.muli %scan3A_61, %mul3A_62 : i32
        %get3A_64 = arith.constant 0 : index
        %get3A_65 = arith.index_cast %mul3A_63 : i32 to index
        %get3A_66 = vector.load %arg8[%get3A_64, %get3A_65] : memref<1x102400xf32, #tpu.memory_space<vmem>>, vector<1x25600xf32>
        %sub3A_67 = vector.broadcast %add3A_48 : f32 to vector<1x25600xf32>
        %sub3A_68 = arith.subf %get3A_66, %sub3A_67 : vector<1x25600xf32>
        %mul3A_69 = arith.constant 25600 : i32
        %mul3A_70 = arith.muli %scan3A_61, %mul3A_69 : i32
        %swap3A_71 = arith.constant 0 : index
        %swap3A_72 = arith.index_cast %mul3A_70 : i32 to index
        %swap3A_73 = vector.load %arg6[%swap3A_71, %swap3A_72] : memref<1x100000xf32, #tpu.memory_space<vmem>>, vector<1x25600xf32>
        tpu.vector_store %arg6[%swap3A_71, %swap3A_72], %sub3A_68 {strides = array<i32>} : memref<1x100000xf32, #tpu.memory_space<vmem>>, vector<1x25600xf32>,
      }
      %scan3A_53 = arith.constant 3 : i32
      %get3A_54 = arith.constant 0 : index
      %get3A_55 = arith.constant 76800 : index
      %get3A_56 = vector.load %arg8[%get3A_54, %get3A_55] : memref<1x102400xf32, #tpu.memory_space<vmem>>, vector<1x23200xf32>
      %sub3A = vector.broadcast %add3A_48 : f32 to vector<1x23200xf32>
      %sub3A_57 = arith.subf %get3A_56, %sub3A : vector<1x23200xf32>
      %swap3A_58 = arith.constant 0 : index
      %swap3A_59 = arith.constant 76800 : index
      %swap3A_60 = vector.load %arg6[%swap3A_58, %swap3A_59] : memref<1x100000xf32, #tpu.memory_space<vmem>>, vector<1x23200xf32>
      tpu.vector_store %arg6[%swap3A_58, %swap3A_59], %sub3A_57 {strides = array<i32>} : memref<1x100000xf32, #tpu.memory_space<vmem>>, vector<1x23200xf32>,
    } else {
    }
    return
  }
  func.func @transform_0(%arg0: i32) -> i32 {
    %c0_i32 = arith.constant 0 : i32
    %c0_i32_0 = arith.constant 0 : i32
    return %c0_i32 : i32
  }
  func.func @transform_1(%arg0: i32) -> (i32, i32) {
    %c0_i32 = arith.constant 0 : i32
    %c0_i32_0 = arith.constant 0 : i32
    %c0_i32_1 = arith.constant 0 : i32
    return %c0_i32, %c0_i32_0 : i32, i32
  }
  func.func @transform_2(%arg0: i32) -> (i32, i32) {
    %c0_i32 = arith.constant 0 : i32
    %c0_i32_0 = arith.constant 0 : i32
    %c0_i32_1 = arith.constant 0 : i32
    return %c0_i32, %c0_i32_0 : i32, i32
  }
  func.func @transform_3(%arg0: i32) -> (i32, i32) {
    %mul3A = arith.constant 1 : i32
    %mul3A_0 = arith.muli %arg0, %mul3A : i32
    %add3A = arith.constant 0 : i32
    %add3A_1 = arith.addi %mul3A_0, %add3A : i32
    %min3A = arith.constant 3 : i32
    %min3A_2 = arith.minsi %add3A_1, %min3A : i32
    %c0_i32 = arith.constant 0 : i32
    %c0_i32_3 = arith.constant 0 : i32
    return %min3A_2, %c0_i32 : i32, i32
  }
  func.func @transform_4(%arg0: i32) -> i32 {
    %mul3A = arith.constant 1 : i32
    %mul3A_0 = arith.muli %arg0, %mul3A : i32
    %add3A = arith.constant 0 : i32
    %add3A_1 = arith.addi %mul3A_0, %add3A : i32
    %min3A = arith.constant 3 : i32
    %min3A_2 = arith.minsi %add3A_1, %min3A : i32
    %c0_i32 = arith.constant 0 : i32
    return %min3A_2 : i32
  }
  func.func @transform_5(%arg0: i32) -> (i32, i32) {
    %c0_i32 = arith.constant 0 : i32
    %c0_i32_0 = arith.constant 0 : i32
    %c0_i32_1 = arith.constant 0 : i32
    return %c0_i32, %c0_i32_0 : i32, i32
  }
}

</mosaic_0001>

<sc_bundles>
// kernel: kernel.4.cloned.1.call-start
scs
__scs_entry_jumppad:
0x0: {  	(pc) =	sbr.rel $0x88, $3  }
0x1: {  	(tag) =	ssettag $0x0;
	lr =	simm.s32 $0x1  }
0x2: {  	[smem:$0x3F9B] =	sst lr;
	_ =	strace $0xD0000000  }
0x3: {  	_ = 	snop  }
0x4: {  	_ = 	snop  }
0x5: {  	_ = 	snop  }
0x6: {  	_ = 	snop  }
0x7: {  	_ = 	snop  }
__scs_overlays_trampoline_lowered:
0x8: {  	[smem:$0x3FAA] =	sst s0  }
0x9: {  	[smem:$0x3FAB] =	sst s1  }
0xa: {  	[smem:$0x3FAC] =	sst s2  }
0xb: {  	[smem:$0x3FAD] =	sst s3  }
0xc: {  	[smem:$0x3FAE] =	sst s4  }
0xd: {  	[smem:$0x3FAF] =	sst s5  }
0xe: {  	[smem:$0x3FB0] =	sst s6  }
0xf: {  	[smem:$0x3FB1] =	sst s7  }
0x10: {  	[smem:$0x3FB2] =	sst s8  }
0x11: {  	[smem:$0x3FB3] =	sst s9;
	s0 =	simm.s32 @!p0 $0x0  }
0x12: {  	s1 =	sld [smem:$0x3F99];
	s0 =	simm.s32 @p0 $0x1  }
0x13: {  	[smem:$0x3FB4] =	sst s0;
	s0 =	simm.s32 @!p1 $0x0  }
0x14: {  	s2 =	sld [smem:$0x3F98];
	s0 =	simm.s32 @p1 $0x1  }
0x15: {  	[smem:$0x3FB5] =	sst s0;
	s0 =	simm.s32 @!p2 $0x0  }
0x16: {  	s3 =	sld [smem:$0x3FDB];
	s0 =	simm.s32 @p2 $0x1  }
0x17: {  	s4 =	simm.s32 $0x1BF5;
	[smem:$0x3FB7] =	sst s0  }
0x18: {  	s0 =	sld [smem:$0x3F9A];
	_ =	swait.ge [sflag:s4], $0x0  }
0x19: {  	s7 =	sld [smem:$0x3F9B]  }
0x1a: {  	s8 =	sadd.s32 $0xFFFFE003, lr  }
0x1b: {  	s9 =	sadd.s32 $0xFFFFFEF7, lr;
	s5 =	simm.s32 $0xFFFFFFFF;
	p2 =	slt.u32 s8, $0xFFFFF086  }
0x1c: {  	p1 =	slt.u32 s9, $0xF7A;
	s5 =	simm.s32 @!p2 $0x0  }
0x1d: {  	s5 =	simm.s32 @p1 $0x1;
	p0 =	seq.s32 s7, s2  }
0x1e: {  	s7 =	smul.u32 @!p0 $0xF7A, s2;
	p2 =	seq.s32 @!p0 s5, $0x0  }
0x1f: {  	s9 =	smul.u32 $0xF7A, s1;
	s8 =	simm.s32 @!p0 $0x1BF5;
	p2 =	por !p2, p0  }
0x20: {  	[sflag:s8] =	ssyncset.s32 @!p0 $0xFFFFF086;
	s6 =	sadd.s32 @!p0 s3, s7;
	s7 =	simm.s32 @!p0 $0x108  }
0x21: {  	s3 =	sadd.s32 s3, s9;
	s6 =	sadd.s32 @!p0 $0x88, s6;
	s7 =	simm.s32 @p2 $0x1082  }
0x22: {  	[simem:s7], [sflag:s8] =	dma.local @!p0 [hbm:s6], $0xF7A  }
0x23: {  	s9 =	sor.u32 $0xD0000000, s2;
	s6 =	simm.s32 $0x108;
	_ =	swait.ge @!p0 [sflag:s8], $0x0  }
0x24: {  	s3 =	sadd.s32 $0x88, s3;
	s6 =	simm.s32 @!p1 $0x1082;
	[sflag:s4] =	ssyncset.s32 $0xFFFFF086  }
0x25: {  	[simem:s6], [sflag:s4] =	dma.local [hbm:s3], $0xF7A  }
0x26: {  	[smem:$0x3F9B] =	sst s1;
	(tag) =	ssettag s2;
	_ =	strace s9  }
0x27: {  	s1 =	sld [smem:$0x3FAB]  }
0x28: {  	s2 =	sld [smem:$0x3FAC]  }
0x29: {  	s4 =	sld [smem:$0x3FAE]  }
0x2a: {  	p0 =	seq.s32 s5, $0x0;
	s5 =	sld [smem:$0x3FAF]  }
0x2b: {  	s6 =	sld [smem:$0x3FB0]  }
0x2c: {  	s7 =	sld [smem:$0x3FB1]  }
0x2d: {  	s3 =	simm.s32 $0x108;
	s8 =	sld [smem:$0x3FB2]  }
0x2e: {  	s3 =	simm.s32 @!p0 $0x1082;
	s9 =	sld [smem:$0x3FB3]  }
0x2f: {  	lr =	sadd.s32 s0, s3;
	s0 =	sld [smem:$0x3FAA]  }
0x30: {  	s3 =	sld [smem:$0x3FAD]  }
0x31: {  	[smem:$0x3FB6] =	sst s10  }
0x32: {  	s10 =	sld [smem:$0x3FB4];
	_ =	sdelay $0x3  }
0x33: {  	p0 =	seq.s32 s10, $0x1;
	s10 =	sld [smem:$0x3FB6];
	_ =	sdelay $0x3  }
0x34: {  	[smem:$0x3FB6] =	sst s10  }
0x35: {  	s10 =	sld [smem:$0x3FB5];
	_ =	sdelay $0x3  }
0x36: {  	p1 =	seq.s32 s10, $0x1;
	s10 =	sld [smem:$0x3FB6];
	_ =	sdelay $0x3  }
0x37: {  	[smem:$0x3FB6] =	sst s10  }
0x38: {  	s10 =	sld [smem:$0x3FB7]  }
0x39: {  	_ = 	snop;
	(pc) =	sbr.ind lr, $3  }
0x3a: {  	_ = 	snop  }
0x3b: {  	_ = 	snop  }
0x3c: {  	p2 =	seq.s32 s10, $0x1;
	s10 =	sld [smem:$0x3FB6]  }
0x3d: {  	_ =	shalt  }
0x3e: {  	_ =	shalt  }
0x3f: {  	_ =	shalt  }
0x40: {  	_ =	shalt  }
0x41: {  	_ =	shalt  }
0x42: {  	_ =	shalt  }
0x43: {  	_ =	shalt  }
0x44: {  	_ =	shalt  }
0x45: {  	_ =	shalt  }
0x46: {  	_ =	shalt  }
0x47: {  	_ =	shalt  }
0x48: {  	_ =	shalt  }
0x49: {  	_ =	shalt  }
0x4a: {  	_ =	shalt  }
0x4b: {  	_ =	shalt  }
0x4c: {  	_ =	shalt  }
0x4d: {  	_ =	shalt  }
0x4e: {  	_ =	shalt  }
0x4f: {  	_ =	shalt  }
0x50: {  	_ =	shalt  }
0x51: {  	_ =	shalt  }
0x52: {  	_ =	shalt  }
0x53: {  	_ =	shalt  }
0x54: {  	_ =	shalt  }
0x55: {  	_ =	shalt  }
0x56: {  	_ =	shalt  }
0x57: {  	_ =	shalt  }
0x58: {  	_ =	shalt  }
0x59: {  	_ =	shalt  }
0x5a: {  	_ =	shalt  }
0x5b: {  	_ =	shalt  }
0x5c: {  	_ =	shalt  }
0x5d: {  	_ =	shalt  }
0x5e: {  	_ =	shalt  }
0x5f: {  	_ =	shalt  }
0x60: {  	_ =	shalt  }
0x61: {  	_ =	shalt  }
0x62: {  	_ =	shalt  }
0x63: {  	_ =	shalt  }
0x64: {  	_ =	shalt  }
0x65: {  	_ =	shalt  }
0x66: {  	_ =	shalt  }
0x67: {  	_ =	shalt  }
0x68: {  	_ =	shalt  }
0x69: {  	_ =	shalt  }
0x6a: {  	_ =	shalt  }
0x6b: {  	_ =	shalt  }
0x6c: {  	_ =	shalt  }
0x6d: {  	_ =	shalt  }
0x6e: {  	_ =	shalt  }
0x6f: {  	_ =	shalt  }
0x70: {  	_ =	shalt  }
0x71: {  	_ =	shalt  }
0x72: {  	_ =	shalt  }
0x73: {  	_ =	shalt  }
0x74: {  	_ =	shalt  }
0x75: {  	_ =	shalt  }
0x76: {  	_ =	shalt  }
0x77: {  	_ =	shalt  }
0x78: {  	_ =	shalt  }
0x79: {  	_ =	shalt  }
0x7a: {  	_ =	shalt  }
0x7b: {  	_ =	shalt  }
0x7c: {  	_ =	shalt  }
0x7d: {  	_ =	shalt  }
0x7e: {  	_ =	shalt  }
0x7f: {  	_ =	shalt  }
0x80: {  	_ =	shalt  }
0x81: {  	_ =	shalt  }
0x82: {  	_ =	shalt  }
0x83: {  	_ =	shalt  }
0x84: {  	_ =	shalt  }
0x85: {  	_ =	shalt  }
0x86: {  	_ =	shalt  }
0x87: {  	_ =	shalt  }
.Lfunc_end0:
.L_simem_size_0:
called_computation_lowered:
.L_overlay_start_0:
0x88: {  	s2 =	sld [smem:$0x3FD9]  }
0x89: {  	s3 =	sld [smem:$0x3FFE];
	_ =	sdelay $0x1  }
0x8a: {  	s1 =	srdreg.scid  }
0x8b: {  	s0 =	sand.u32 $0x1, s1  }
0x8c: {  	s18 =	sshll.u32 s0, $0xA;
	s2 =	sadd.s32 s3, s2  }
0x8d: {  	s2 =	sadd.s32 s2, s18  }
0x8e: {  	[smem:$0x3FC2] =	sst s2  }
0x8f: {  	_ = 	snop  }
0x90: {  	s2 =	sld [smem:$0x3FC9]  }
0x91: {  	s19 =	sld [smem:$0x3FC8]  }
0x92: {  	s4 =	sld [smem:$0x3FD0];
	(tm) =	ssettm $0x1  }
0x93: {  	s5 =	sld [smem:$0x3FFB];
	_ =	sdelay $0x3  }
0x94: {  	_ =	strace s5  }
0x95: {  	s5 =	sld [smem:$0x3FFC];
	_ =	sdelay $0x3  }
0x96: {  	_ =	strace s5  }
0x97: {  	s5 =	sld [smem:$0x3FFD];
	_ =	sdelay $0x3  }
0x98: {  	_ =	strace s5  }
0x99: {  	_ =	strace $0x8FFFFFFF  }
0x9a: {  	s20 =	sld [smem:$0x3FDB];
	_ =	sdelay $0x1  }
0x9b: {  	s6 =	simm.s32 $_scs_section_size  }
0x9c: {  	s7 =	simm.s32 $_size__tile_overlayer_lowered;
	s8 =	simm.s32 $_tile_overlayer_lowered  }
0x9d: {  	s23 =	simm.s32 $0x1BFF;
	s22 =	sshll.u32 s8, $0x1;
	s5 =	sadd.s32 s6, s20  }
0x9e: {  	s9 =	simm.s32 $0x0;
	s21 =	sshll.u32 s7, $0x1;
	s7 =	sadd.s32 s22, s5  }
0x9f: {  	[timem:s9], [sflag:s23] =	dma.local [hbm:s7], s21  }
0xa0: {  	_ =	swait.ge [sflag:s23], s21  }
0xa1: {  	s6 =	ssub.s32 $0x0, s21;
	[sflag:s23] =	ssyncset.done $0x0  }
0xa2: {  	[sflag:s23] =	ssyncadd.s32 s6;
	_ =	sdelay $0x1  }
0xa3: {  	s24 =	simm.s32 $0x1B8B  }
0xa4: {  	_ =	swait.ge [sflag:s24], $0x1  }
0xa5: {  	[sflag:s24] =	ssyncset.done $0x0  }
0xa6: {  	s25 =	simm.s32 $0x1B8E;
	[sflag:s24] =	ssyncadd.s32 $0xFFFFFFFF  }
0xa7: {  	s26 =	simm.s32 $execute0_lowered;
	[smem:$0x3FD2] =	sst s25  }
0xa8: {  	s6 =	sshll.u32 s26, $0x1;
	_ =	strace $0x80000046;
	[dreg:$0x1] =	wrdreg $0xFFFFFFFF  }
0xa9: {  	s28 =	simm.s32 $_size_execute0_lowered;
	s5 =	sadd.s32 s5, s6;
	[dreg:$0x0] =	wrdreg $0x0  }
0xaa: {  	s6 =	sshll.u32 s28, $0x1;
	[dreg:$0x2] =	wrdreg s5  }
0xab: {  	[dreg:$0x3] =	wrdreg s6  }
0xac: {  	[dreg:$0x4] =	wrdreg $0xC0  }
0xad: {  	_ =	task [dreg:s9], $0x5FFFF  }
0xae: {  	[dreg:$0x1] =	wrdreg $0xFFFFFFFF  }
0xaf: {  	[dreg:$0x0] =	wrdreg $0x60  }
0xb0: {  	[dreg:$0x2] =	wrdreg s19  }
0xb1: {  	[dreg:$0x3] =	wrdreg s2  }
0xb2: {  	[dreg:$0x4] =	wrdreg s4  }
0xb3: {  	[dreg:$0x5] =	wrdreg $0x9  }
0xb4: {  	_ =	task.clear_ibuf [dreg:s9], $0x6FFFF;
	_ =	strace $0x90000046  }
0xb5: {  	s29 =	simm.s32 $0x9;
	_ =	strace $0x80000048  }
0xb6: {  	_ =	swait.ge [sflag:s29], $0x1  }
0xb7: {  	[sflag:s29] =	ssyncadd.s32 $0xFFFFFFFF  }
0xb8: {  	_ =	strace $0x90000048  }
0xb9: {  	_ =	sfence  }
0xba: {  	s30 =	sld [smem:$0x0];
	_ =	sdelay $0x2  }
0xbb: {  	s31 =	sshll.u32 s1, $0xD;
	s1 =	sshrl.u32 s1, $0x2  }
0xbc: {  	s3 =	sand.u32 $0x4000, s31;
	s1 =	sadd.s32 s1, s30  }
0xbd: {  	s0 =	sor.u32 s3, s0;
	s1 =	sshll.u32 s1, $0x11  }
0xbe: {  	s0 =	sor.u32 s1, s0  }
0xbf: {  	s0 =	sadd.s32 $0x8F2B, s0  }
0xc0: {  	[sflag:s0] =	ssyncadd.remote.s32 $0x1  }
0xc1: {  	_ =	sfence.sel $0xFFFF  }
0xc2: {  	[dreg:$0x0] =	wrdreg $0xFFFFFFFF;
	(pc) =	sbr.abs _section_cstart, $3  }
0xc3: {  	[dreg:$0x1] =	wrdreg $0xFFFFFFFF  }
0xc4: {  	_ =	task.clear_ibuf [dreg:s9], $0x2FFFF;
	_ =	strace $0x9FFFFFFF  }
0xc5: {  	(tm) =	ssettm $0x7FFFFFFF  }
tec
execute0_lowered:
.L_overlay_start_1:
0x0: {  	(tag) =	ssettag $0x1  }
0x1: {  	s2 =	srdreg.scid;
	s3 =	stileid.u32  }
0x2: {  	s2 =	sand.u32 $0x1, s2;
	s5 =	sshll.u32 s3, $0x1  }
0x3: {  	s5 =	sor.u32 s2, s5  }
0x4: {  	p0 =	sgt.u32 s5, $0x18  }
.Ltmp0:
0x5: {  	_ = 	snop;
	(pc) =	sbr.rel @p0 .LBB2_3-.Ltmp0, $4  }
0x6: {  	s1 =	rddreg [dreg:$0x0]  }
0x7: {  	s0 =	rddreg [dreg:$0x1];
	s3 =	simm.s32 $0x0  }
0x8: {  	[smem:$0x7FF] =	sst s3  }
0x9: {  	s4 =	rddreg [dreg:$0x2];
	_ =	strace $0x80000047  }
0xa: {  	s6 =	sshll.u32 s5, $0x6;
	s2 =	ssub.s32 $0x2, s2  }
0xb: {  	s0 =	sadd.s32 s0, s5;
	s5 =	simm.s32 $0x2;
	s7 =	simm.s32 $0x400  }
0xc: {  	s8 =	simm.s32 $0xC3800;
	s9 =	simm.s32 $0x80;
	s10 =	simm.s32 $0x2080  }
0xd: {  	vm0 =	vmmov $0x1;
	s11 =	simm.s32 $0x4080;
	s12 =	simm.s32 $0x6080;
	s13 =	simm.s32 $0x8080  }
0xe: {  	vm1 =	vcmask $0x308;
	vm2 =	vcmask $0x70C;
	v0 =	vlaneseq.u32;
	s14 =	simm.s32 $0xA080;
	s31 =	simm.s32 $0x10080;
	s15 =	simm.s32 $0xC080  }
0xf: {  	vm3 =	vcmask $0xB10;
	vm4 =	vcmask $0xF14;
	s16 =	simm.s32 $0xE080;
	s30 =	sshrl.u32 s2, $0x1;
	[dreg:$0x5] =	wrdreg s0;
	v0 =	vmul.u32 $0x80, v0  }
0x10: {  	vm5 =	vcmask $0x1318;
	vm6 =	vcmask $0x171C;
	vm7 =	vcmask $0x1B20;
	s4 =	sadd.s32 s4, s6;
	[dreg:$0x6] =	wrdreg s31;
	s2 =	ssub.s32 s2, s30  }
0x11: {  	s6 =	simm.s32 $0x1;
	[dreg:$0x4] =	wrdreg s4;
	s4 =	smax.u32 s2, $0x1;
	v1 =	vor.u32 $0x800, v0;
	v2 =	vor.u32 $0x1000, v0;
	v3 =	vor.u32 $0x1800, v0  }
.LBB2_2:
0x12: {  	s0 =	rddreg [dreg:$0x5]  }
0x13: {  	[tilespmem:s3], [sflag:$0x2] =	stream.linear.gather [hbm4b:s0+s3], $0x8, $0x38;
	[tilespmem:$0x10280] =	vst v63  }
0x14: {  	_ =	swait.ge [sflag:s5], $0x8  }
0x15: {  	[sflag:s5] =	ssyncset.done $0x0  }
0x16: {  	[sflag:s5] =	ssyncadd.s32 $0xFFFFFFF8  }
0x17: {  	v4 =	vld [tilespmem:$0x0];
	_ =	sdelay $0x4  }
0x18: {  	v5 =	vnsel vm0, $0x0, v4  }
0x19: {  	(xrf0) =	vadd.scan.msk.s32 $0xffff, v5;
	_ =	sdelay $0x5  }
0x1a: {  	v5, _, _ =	vpop (xrf0)  }
0x1b: {  	(v2sf) =	vpush v5, $0xF;
	v5 =	vsel vm1, $0x0, v4  }
0x1c: {  	(xrf0) =	vadd.scan.msk.s32 $0xffff, v5;
	_ =	sdelay $0x5  }
0x1d: {  	v5, _, _ =	vpop (xrf0)  }
0x1e: {  	(v2sf) =	vpush v5, $0xF  }
0x1f: {  	v5 =	vsel vm2, $0x0, v4  }
0x20: {  	(xrf0) =	vadd.scan.msk.s32 $0xffff, v5;
	_ =	sdelay $0x4  }
0x21: {  	s17 =	spop (v2sf)  }
0x22: {  	v5, _, _ =	vpop (xrf0);
	s24 =	sand.u32 $0x7F, s17  }
0x23: {  	s2 =	sshra.s32 s17, $0x1F;
	p0 =	slt.s32 s17, $0x1;
	(v2sf) =	vpush v5, $0xF;
	p1 =	sne.s32 s24, $0x0  }
0x24: {  	v5 =	vsel vm3, $0x0, v4;
	s25 =	sshrl.u32 s2, $0x19;
	p0 =	por !p0, !p1  }
0x25: {  	s2 =	simm.s32 $0x1;
	(xrf0) =	vadd.scan.msk.s32 $0xffff, v5;
	s0 =	sadd.s32 s25, s17;
	p0 =	por !p0, !p0  }
0x26: {  	s0 =	sshrl.u32 s0, $0x7;
	s2 =	simm.s32 @!p0 $0x0  }
0x27: {  	s0 =	ssub.s32 s0, s2  }
0x28: {  	s20 =	sshll.u32 s0, $0x7  }
0x29: {  	s0 =	sand.u32 $0x1FFFFF80, s20;
	s18 =	spop (v2sf)  }
0x2a: {  	s0 =	sadd.s32 s1, s0;
	s26 =	sand.u32 $0x7F, s18  }
0x2b: {  	v5, _, _ =	vpop (xrf0);
	[tilespmem:s9], [sflag:$0x1] =	stream.strided.gather [hbm4b:s0+s7], $0x2000, s8, s7, $0x38;
	[tilespmem:$0x10280] =	vst v63  }
0x2c: {  	s28 =	sshra.s32 s18, $0x1F;
	p5 =	slt.s32 s18, $0x1;
	(v2sf) =	vpush v5, $0xF;
	p6 =	sne.s32 s26, $0x0  }
0x2d: {  	v5 =	vsel vm4, $0x0, v4;
	s29 =	sshrl.u32 s28, $0x19;
	p0 =	por !p5, !p6  }
0x2e: {  	s2 =	simm.s32 $0x1;
	(xrf0) =	vadd.scan.msk.s32 $0xffff, v5;
	s0 =	sadd.s32 s29, s18;
	p0 =	por !p0, !p0  }
0x2f: {  	s0 =	sshrl.u32 s0, $0x7;
	s2 =	simm.s32 @!p0 $0x0  }
0x30: {  	s0 =	ssub.s32 s0, s2  }
0x31: {  	s21 =	sshll.u32 s0, $0x7  }
0x32: {  	s0 =	sand.u32 $0x1FFFFF80, s21;
	s19 =	spop (v2sf)  }
0x33: {  	s0 =	sadd.s32 s1, s0;
	s30 =	sand.u32 $0x7F, s19  }
0x34: {  	v5, _, _ =	vpop (xrf0);
	[tilespmem:s10], [sflag:$0x1] =	stream.strided.gather [hbm4b:s0+s7], $0x2000, s8, s7, $0x38;
	[tilespmem:$0x10280] =	vst v63  }
0x35: {  	s31 =	sshra.s32 s19, $0x1F;
	p1 =	slt.s32 s19, $0x1;
	(v2sf) =	vpush v5, $0xF;
	p2 =	sne.s32 s30, $0x0  }
0x36: {  	v5 =	vsel vm5, $0x0, v4;
	s2 =	sshrl.u32 s31, $0x19;
	p0 =	por !p1, !p2  }
0x37: {  	(xrf0) =	vadd.scan.msk.s32 $0xffff, v5;
	s0 =	sadd.s32 s2, s19;
	s2 =	simm.s32 $0x1;
	p0 =	por !p0, !p0  }
0x38: {  	s0 =	sshrl.u32 s0, $0x7;
	s2 =	simm.s32 @!p0 $0x0  }
0x39: {  	s0 =	ssub.s32 s0, s2  }
0x3a: {  	s23 =	sshll.u32 s0, $0x7  }
0x3b: {  	s0 =	sand.u32 $0x1FFFFF80, s23;
	s22 =	spop (v2sf)  }
0x3c: {  	s0 =	sadd.s32 s1, s0;
	s3 =	sand.u32 $0x7F, s22  }
0x3d: {  	v5, _, _ =	vpop (xrf0);
	[tilespmem:s11], [sflag:$0x1] =	stream.strided.gather [hbm4b:s0+s7], $0x2000, s8, s7, $0x38;
	[tilespmem:$0x10280] =	vst v63  }
0x3e: {  	s24 =	sshra.s32 s22, $0x1F;
	p3 =	slt.s32 s22, $0x1;
	(v2sf) =	vpush v5, $0xF;
	p4 =	sne.s32 s3, $0x0  }
0x3f: {  	v5 =	vsel vm6, $0x0, v4;
	s25 =	sshrl.u32 s24, $0x19;
	p0 =	por !p3, !p4  }
0x40: {  	s2 =	simm.s32 $0x1;
	(xrf0) =	vadd.scan.msk.s32 $0xffff, v5;
	s0 =	sadd.s32 s25, s22;
	p0 =	por !p0, !p0  }
0x41: {  	s0 =	sshrl.u32 s0, $0x7;
	s2 =	simm.s32 @!p0 $0x0  }
0x42: {  	s0 =	ssub.s32 s0, s2  }
0x43: {  	s25 =	sshll.u32 s0, $0x7  }
0x44: {  	s0 =	sand.u32 $0x1FFFFF80, s25;
	s24 =	spop (v2sf)  }
0x45: {  	s0 =	sadd.s32 s1, s0;
	s26 =	sand.u32 $0x7F, s24  }
0x46: {  	v5, _, _ =	vpop (xrf0);
	[tilespmem:s12], [sflag:$0x1] =	stream.strided.gather [hbm4b:s0+s7], $0x2000, s8, s7, $0x38;
	[tilespmem:$0x10280] =	vst v63  }
0x47: {  	s28 =	sshra.s32 s24, $0x1F;
	p5 =	slt.s32 s24, $0x1;
	(v2sf) =	vpush v5, $0xF;
	p6 =	sne.s32 s26, $0x0  }
0x48: {  	s29 =	sshrl.u32 s28, $0x19;
	p0 =	por !p5, !p6  }
0x49: {  	v4 =	vsel vm7, $0x0, v4;
	s2 =	simm.s32 $0x1;
	s0 =	sadd.s32 s29, s24;
	p0 =	por !p0, !p0  }
0x4a: {  	(xrf0) =	vadd.scan.msk.s32 $0xffff, v4;
	s0 =	sshrl.u32 s0, $0x7;
	s2 =	simm.s32 @!p0 $0x0  }
0x4b: {  	s0 =	ssub.s32 s0, s2  }
0x4c: {  	s29 =	sshll.u32 s0, $0x7  }
0x4d: {  	s0 =	sand.u32 $0x1FFFFF80, s29;
	s26 =	spop (v2sf)  }
0x4e: {  	s0 =	sadd.s32 s1, s0;
	s30 =	sand.u32 $0x7F, s26  }
0x4f: {  	[tilespmem:s13], [sflag:$0x1] =	stream.strided.gather [hbm4b:s0+s7], $0x2000, s8, s7, $0x38;
	[tilespmem:$0x10280] =	vst v63  }
0x50: {  	v4, _, _ =	vpop (xrf0);
	s31 =	sshra.s32 s26, $0x1F;
	p1 =	slt.s32 s26, $0x1;
	p2 =	sne.s32 s30, $0x0  }
0x51: {  	(v2sf) =	vpush v4, $0xF;
	s2 =	sshrl.u32 s31, $0x19;
	p0 =	por !p1, !p2  }
0x52: {  	s0 =	sadd.s32 s2, s26;
	s2 =	simm.s32 $0x1;
	p0 =	por !p0, !p0  }
0x53: {  	s0 =	sshrl.u32 s0, $0x7;
	s2 =	simm.s32 @!p0 $0x0  }
0x54: {  	s0 =	ssub.s32 s0, s2  }
0x55: {  	s31 =	sshll.u32 s0, $0x7  }
0x56: {  	s0 =	sand.u32 $0x1FFFFF80, s31;
	s28 =	spop (v2sf)  }
0x57: {  	s0 =	sadd.s32 s1, s0;
	s3 =	sand.u32 $0x7F, s28  }
0x58: {  	[tilespmem:s14], [sflag:$0x1] =	stream.strided.gather [hbm4b:s0+s7], $0x2000, s8, s7, $0x38;
	[tilespmem:$0x10280] =	vst v63  }
0x59: {  	s30 =	sshra.s32 s28, $0x1F;
	p3 =	slt.s32 s28, $0x1;
	p4 =	sne.s32 s3, $0x0  }
0x5a: {  	s2 =	sshrl.u32 s30, $0x19;
	p0 =	por !p3, !p4  }
0x5b: {  	s0 =	sadd.s32 s2, s28;
	s2 =	simm.s32 $0x1;
	p0 =	por !p0, !p0  }
0x5c: {  	s0 =	sshrl.u32 s0, $0x7;
	s2 =	simm.s32 @!p0 $0x0  }
0x5d: {  	s0 =	ssub.s32 s0, s2  }
0x5e: {  	s2 =	sshll.u32 s0, $0x7  }
0x5f: {  	s0 =	sand.u32 $0x1FFFFF80, s2  }
0x60: {  	s30 =	spop (v2sf);
	s0 =	sadd.s32 s1, s0  }
0x61: {  	[tilespmem:s15], [sflag:$0x1] =	stream.strided.gather [hbm4b:s0+s7], $0x2000, s8, s7, $0x38;
	[tilespmem:$0x10280] =	vst v63  }
0x62: {  	s0 =	sand.u32 $0x7F, s30  }
0x63: {  	s3 =	sshra.s32 s30, $0x1F;
	p5 =	slt.s32 s30, $0x1;
	p6 =	sne.s32 s0, $0x0  }
0x64: {  	s3 =	sshrl.u32 s3, $0x19;
	p0 =	por !p5, !p6  }
0x65: {  	s0 =	sadd.s32 s3, s30;
	s3 =	simm.s32 $0x1;
	p0 =	por !p0, !p0  }
0x66: {  	s0 =	sshrl.u32 s0, $0x7;
	s3 =	simm.s32 @!p0 $0x0  }
0x67: {  	s0 =	ssub.s32 s0, s3  }
0x68: {  	s0 =	sshll.u32 s0, $0x7  }
0x69: {  	s3 =	sand.u32 $0x1FFFFF80, s0  }
0x6a: {  	s3 =	sadd.s32 s1, s3  }
0x6b: {  	[tilespmem:s16], [sflag:$0x1] =	stream.strided.gather [hbm4b:s3+s7], $0x2000, s8, s7, $0x38;
	[tilespmem:$0x10280] =	vst v63  }
0x6c: {  	_ =	swait.ge [sflag:s6], $0x2000  }
0x6d: {  	[sflag:s6] =	ssyncset.done $0x0  }
0x6e: {  	[sflag:s6] =	ssyncadd.s32 $0xFFFFE000  }
0x6f: {  	_ =	swait.ge [sflag:s6], $0x2000  }
0x70: {  	[sflag:s6] =	ssyncset.done $0x0  }
0x71: {  	[sflag:s6] =	ssyncadd.s32 $0xFFFFE000  }
0x72: {  	_ =	swait.ge [sflag:s6], $0x2000  }
0x73: {  	[sflag:s6] =	ssyncset.done $0x0  }
0x74: {  	[sflag:s6] =	ssyncadd.s32 $0xFFFFE000  }
0x75: {  	_ =	swait.ge [sflag:s6], $0x2000  }
0x76: {  	[sflag:s6] =	ssyncset.done $0x0  }
0x77: {  	[sflag:s6] =	ssyncadd.s32 $0xFFFFE000  }
0x78: {  	_ =	swait.ge [sflag:s6], $0x2000  }
0x79: {  	[sflag:s6] =	ssyncset.done $0x0  }
0x7a: {  	[sflag:s6] =	ssyncadd.s32 $0xFFFFE000  }
0x7b: {  	_ =	swait.ge [sflag:s6], $0x2000  }
0x7c: {  	[sflag:s6] =	ssyncset.done $0x0  }
0x7d: {  	[sflag:s6] =	ssyncadd.s32 $0xFFFFE000  }
0x7e: {  	s17 =	ssub.s32 s17, s20;
	_ =	swait.ge [sflag:s6], $0x2000  }
0x7f: {  	v4 =	vadd.s32 s17, v0;
	[sflag:s6] =	ssyncset.done $0x0  }
0x80: {  	[sflag:s6] =	ssyncadd.s32 $0xFFFFE000  }
0x81: {  	_ =	swait.ge [sflag:s6], $0x2000  }
0x82: {  	[sflag:s6] =	ssyncset.done $0x0  }
0x83: {  	[sflag:s6] =	ssyncadd.s32 $0xFFFFE000  }
0x84: {  	v4 =	vld.idx.msk [tilespmem:v4+s9+$0x0], $0xffff  }
0x85: {  	v5 =	vadd.s32 s17, v1;
	_ =	sdelay $0x3  }
0x86: {  	[tilespmem:$0x10080] =	vst v4  }
0x87: {  	v4 =	vld.idx.msk [tilespmem:v5+s9+$0x0], $0xffff  }
0x88: {  	v5 =	vadd.s32 s17, v2;
	_ =	sdelay $0x3  }
0x89: {  	[tilespmem:$0x10090] =	vst v4  }
0x8a: {  	v4 =	vld.idx.msk [tilespmem:v5+s9+$0x0], $0xffff  }
0x8b: {  	v5 =	vadd.s32 s17, v3;
	_ =	sdelay $0x3  }
0x8c: {  	[tilespmem:$0x100A0] =	vst v4  }
0x8d: {  	s20 =	ssub.s32 s18, s21;
	v4 =	vld.idx.msk [tilespmem:v5+s9+$0x0], $0xffff  }
0x8e: {  	v5 =	vadd.s32 s20, v0;
	_ =	sdelay $0x3  }
0x8f: {  	[tilespmem:$0x100B0] =	vst v4  }
0x90: {  	v4 =	vld.idx.msk [tilespmem:v5+s10+$0x0], $0xffff  }
0x91: {  	v5 =	vadd.s32 s20, v1;
	_ =	sdelay $0x3  }
0x92: {  	[tilespmem:$0x100C0] =	vst v4  }
0x93: {  	v4 =	vld.idx.msk [tilespmem:v5+s10+$0x0], $0xffff  }
0x94: {  	v5 =	vadd.s32 s20, v2;
	_ =	sdelay $0x3  }
0x95: {  	[tilespmem:$0x100D0] =	vst v4  }
0x96: {  	v4 =	vld.idx.msk [tilespmem:v5+s10+$0x0], $0xffff  }
0x97: {  	v5 =	vadd.s32 s20, v3;
	_ =	sdelay $0x3  }
0x98: {  	[tilespmem:$0x100E0] =	vst v4  }
0x99: {  	s21 =	ssub.s32 s19, s23;
	v4 =	vld.idx.msk [tilespmem:v5+s10+$0x0], $0xffff  }
0x9a: {  	v5 =	vadd.s32 s21, v0;
	_ =	sdelay $0x3  }
0x9b: {  	[tilespmem:$0x100F0] =	vst v4  }
0x9c: {  	v4 =	vld.idx.msk [tilespmem:v5+s11+$0x0], $0xffff  }
0x9d: {  	v5 =	vadd.s32 s21, v1;
	_ =	sdelay $0x3  }
0x9e: {  	[tilespmem:$0x10100] =	vst v4  }
0x9f: {  	v4 =	vld.idx.msk [tilespmem:v5+s11+$0x0], $0xffff  }
0xa0: {  	v5 =	vadd.s32 s21, v2;
	_ =	sdelay $0x3  }
0xa1: {  	[tilespmem:$0x10110] =	vst v4  }
0xa2: {  	v4 =	vld.idx.msk [tilespmem:v5+s11+$0x0], $0xffff  }
0xa3: {  	v5 =	vadd.s32 s21, v3;
	_ =	sdelay $0x3  }
0xa4: {  	[tilespmem:$0x10120] =	vst v4  }
0xa5: {  	s23 =	ssub.s32 s22, s25;
	v4 =	vld.idx.msk [tilespmem:v5+s11+$0x0], $0xffff  }
0xa6: {  	v5 =	vadd.s32 s23, v0;
	_ =	sdelay $0x3  }
0xa7: {  	[tilespmem:$0x10130] =	vst v4  }
0xa8: {  	v4 =	vld.idx.msk [tilespmem:v5+s12+$0x0], $0xffff  }
0xa9: {  	v5 =	vadd.s32 s23, v1;
	_ =	sdelay $0x3  }
0xaa: {  	[tilespmem:$0x10140] =	vst v4  }
0xab: {  	v4 =	vld.idx.msk [tilespmem:v5+s12+$0x0], $0xffff  }
0xac: {  	v5 =	vadd.s32 s23, v2;
	_ =	sdelay $0x3  }
0xad: {  	[tilespmem:$0x10150] =	vst v4  }
0xae: {  	v4 =	vld.idx.msk [tilespmem:v5+s12+$0x0], $0xffff  }
0xaf: {  	v5 =	vadd.s32 s23, v3;
	_ =	sdelay $0x3  }
0xb0: {  	[tilespmem:$0x10160] =	vst v4  }
0xb1: {  	s25 =	ssub.s32 s24, s29;
	v4 =	vld.idx.msk [tilespmem:v5+s12+$0x0], $0xffff  }
0xb2: {  	v5 =	vadd.s32 s25, v0;
	_ =	sdelay $0x3  }
0xb3: {  	[tilespmem:$0x10170] =	vst v4  }
0xb4: {  	v4 =	vld.idx.msk [tilespmem:v5+s13+$0x0], $0xffff  }
0xb5: {  	v5 =	vadd.s32 s25, v1;
	_ =	sdelay $0x3  }
0xb6: {  	[tilespmem:$0x10180] =	vst v4  }
0xb7: {  	v4 =	vld.idx.msk [tilespmem:v5+s13+$0x0], $0xffff  }
0xb8: {  	v5 =	vadd.s32 s25, v2;
	_ =	sdelay $0x3  }
0xb9: {  	[tilespmem:$0x10190] =	vst v4  }
0xba: {  	v4 =	vld.idx.msk [tilespmem:v5+s13+$0x0], $0xffff  }
0xbb: {  	v5 =	vadd.s32 s25, v3;
	_ =	sdelay $0x3  }
0xbc: {  	[tilespmem:$0x101A0] =	vst v4  }
0xbd: {  	s29 =	ssub.s32 s26, s31;
	v4 =	vld.idx.msk [tilespmem:v5+s13+$0x0], $0xffff  }
0xbe: {  	v5 =	vadd.s32 s29, v0;
	_ =	sdelay $0x3  }
0xbf: {  	[tilespmem:$0x101B0] =	vst v4  }
0xc0: {  	v4 =	vld.idx.msk [tilespmem:v5+s14+$0x0], $0xffff  }
0xc1: {  	v5 =	vadd.s32 s29, v1;
	_ =	sdelay $0x3  }
0xc2: {  	[tilespmem:$0x101C0] =	vst v4  }
0xc3: {  	v4 =	vld.idx.msk [tilespmem:v5+s14+$0x0], $0xffff  }
0xc4: {  	v5 =	vadd.s32 s29, v2;
	_ =	sdelay $0x3  }
0xc5: {  	[tilespmem:$0x101D0] =	vst v4  }
0xc6: {  	v4 =	vld.idx.msk [tilespmem:v5+s14+$0x0], $0xffff  }
0xc7: {  	v5 =	vadd.s32 s29, v3;
	_ =	sdelay $0x3  }
0xc8: {  	[tilespmem:$0x101E0] =	vst v4  }
0xc9: {  	s2 =	ssub.s32 s28, s2;
	v4 =	vld.idx.msk [tilespmem:v5+s14+$0x0], $0xffff  }
0xca: {  	v5 =	vadd.s32 s2, v0;
	_ =	sdelay $0x3  }
0xcb: {  	[tilespmem:$0x101F0] =	vst v4  }
0xcc: {  	v4 =	vld.idx.msk [tilespmem:v5+s15+$0x0], $0xffff  }
0xcd: {  	v5 =	vadd.s32 s2, v1;
	_ =	sdelay $0x3  }
0xce: {  	[tilespmem:$0x10200] =	vst v4  }
0xcf: {  	v4 =	vld.idx.msk [tilespmem:v5+s15+$0x0], $0xffff  }
0xd0: {  	v5 =	vadd.s32 s2, v2;
	_ =	sdelay $0x3  }
0xd1: {  	[tilespmem:$0x10210] =	vst v4  }
0xd2: {  	v4 =	vld.idx.msk [tilespmem:v5+s15+$0x0], $0xffff  }
0xd3: {  	v5 =	vadd.s32 s2, v3;
	_ =	sdelay $0x3  }
0xd4: {  	[tilespmem:$0x10220] =	vst v4  }
0xd5: {  	s0 =	ssub.s32 s30, s0;
	v4 =	vld.idx.msk [tilespmem:v5+s15+$0x0], $0xffff  }
0xd6: {  	v5 =	vadd.s32 s0, v0;
	_ =	sdelay $0x3  }
0xd7: {  	[tilespmem:$0x10230] =	vst v4  }
0xd8: {  	v4 =	vld.idx.msk [tilespmem:v5+s16+$0x0], $0xffff  }
0xd9: {  	v5 =	vadd.s32 s0, v1;
	_ =	sdelay $0x3  }
0xda: {  	[tilespmem:$0x10240] =	vst v4  }
0xdb: {  	v4 =	vld.idx.msk [tilespmem:v5+s16+$0x0], $0xffff  }
0xdc: {  	v5 =	vadd.s32 s0, v2;
	_ =	sdelay $0x3  }
0xdd: {  	[tilespmem:$0x10250] =	vst v4  }
0xde: {  	v4 =	vld.idx.msk [tilespmem:v5+s16+$0x0], $0xffff  }
0xdf: {  	v5 =	vadd.s32 s0, v3;
	_ =	sdelay $0x3  }
0xe0: {  	[tilespmem:$0x10260] =	vst v4  }
0xe1: {  	v4 =	vld.idx.msk [tilespmem:v5+s16+$0x0], $0xffff;
	_ =	sdelay $0x3  }
0xe2: {  	p0 =	sne.s32 s4, $0x1;
	s30 =	rddreg [dreg:$0x4]  }
.Ltmp1:
0xe3: {  	s3 =	simm.s32 $0x0;
	s31 =	rddreg [dreg:$0x6];
	[tilespmem:$0x10270] =	vst v4;
	(pc) =	sbr.rel @p0 .LBB2_2-.Ltmp1, $4  }
0xe4: {  	[hbm4b:s30+s3] =	stream.linear.scatter [tilespmem:s31], [sflag:$0x2], $0x200, $0x38;
	[tilespmem:$0x10280] =	vst v63  }
0xe5: {  	_ =	swait.ge [sflag:s5], $0x200  }
0xe6: {  	[sflag:s5] =	ssyncset.done $0x0  }
0xe7: {  	s4 =	sadd.s32 $0xFFFFFFFF, s4;
	[sflag:s5] =	ssyncadd.s32 $0xFFFFFE00  }
.LBB2_3:
0xe8: {  	_ =	sfence.sel $0x180000  }
0xe9: {  	[bflag:$0x0] =	sbarrier.arrive $0xFFFF  }
0xea: {  	_ =	strace $0x90000047  }
0xeb: {  	s0 =	stileid.u32;
	[bflag:$0x2] =	sbarrier.arrive $0xFFFF  }
0xec: {  	p0 =	sne.s32 s0, $0x0;
	s0 =	rddreg [dreg:$0x3]  }
0xed: {  	s0 =	sadd.s32 @!p0 $0x100000, s0  }
0xee: {  	[sflag:s0] =	ssyncadd.tile.s32 @!p0 $0x1;
	_ =	shalt  }
.Lfunc_end2:
_tile_overlayer_lowered:
.L_overlay_start_2:
0xef: {  	(tag) =	ssettag $0x2  }
0xf0: {  	s0 =	rddreg [dreg:$0x0];
	s2 =	stileid.u32  }
0xf1: {  	s1 =	rddreg [dreg:$0x1];
	p0 =	sne.s32 s2, $0x0  }
0xf2: {  	s3 =	rddreg [dreg:$0x2];
	[bflag:$0x3] =	sbarrier.arrive $0xFFFF;
	s2 =	simm.s32 @!p0 $0x1C02  }
0xf3: {  	[timem:s3], [sflag:s2] =	dma.local @!p0 [hbm:s0], s1  }
0xf4: {  	s0 =	simm.s32 @!p0 $0x2  }
0xf5: {  	_ =	swait.ge @!p0 [sflag:s0], s1  }
0xf6: {  	s1 =	ssub.s32 @!p0 $0x0, s1;
	[sflag:s0] =	ssyncset.done @!p0 $0x0  }
0xf7: {  	[sflag:s0] =	ssyncadd.s32 @!p0 s1  }
0xf8: {  	[bflag:$0x3] =	sbarrier.arrive $0xFFFF  }
0xf9: {  	_ =	shalt  }

</sc_bundles>
